<compile_context>
chip_gen: v7x
topology: tpu7x:2x2x1
jax: 0.10.2.dev20260603
libtpu: 0.0.44.dev20260713+nightly
codegen_flags: <defaults>
</compile_context>

<pallas_src>
import functools

import jax
import jax.numpy as jnp
from jax import lax
from jax.experimental import pallas as pl
from jax.experimental.pallas import tpu as pltpu
from jax.experimental.pallas import tpu_sc as plsc

VOCAB = 100000
DIM = 128
BATCH = 16384
NEG = 5

_info = plsc.get_sparse_core_info()
_NC, _NS, _L = _info.num_cores, _info.num_subcores, _info.num_lanes
_NW = _NC * _NS
_BPW = BATCH // _NW
_CHUNK = 16
_NBUF = 6
_NCHUNKS = _BPW // _CHUNK
_NGROUPS = _CHUNK // _L

_mesh = plsc.VectorSubcoreMesh(core_axis_name="c", subcore_axis_name="s")


@functools.partial(
    pl.kernel,
    mesh=_mesh,
    compiler_params=pltpu.CompilerParams(needs_layout_passes=False),
    out_type=jax.ShapeDtypeStruct((NEG + 1, BATCH), jnp.float32),
    scratch_types=[
        pltpu.VMEM((_BPW,), jnp.int32),
        pltpu.VMEM((_BPW,), jnp.int32),
        pltpu.VMEM((NEG, _BPW), jnp.int32),
        pltpu.VMEM((_NBUF * _CHUNK, DIM), jnp.float32),
        pltpu.VMEM((_NBUF * _CHUNK, DIM), jnp.float32),
        pltpu.VMEM((_NBUF * _CHUNK * NEG, DIM), jnp.float32),
        pltpu.VMEM((NEG + 1, _BPW), jnp.float32),
        pltpu.SemaphoreType.DMA((_NBUF,)),
    ],
)
def _sc_scores(tgt_idx_hbm, ctx_idx_hbm, neg_idx_hbm, in_emb_hbm, out_emb_hbm,
               scores_out_hbm,
               idx_t_v, idx_c_v, idx_n_v,
               tgt_v, ctx_v, neg_v,
               scores_v, sems):
    wid = lax.axis_index("s") * _NC + lax.axis_index("c")
    base = wid * _BPW

    pltpu.sync_copy(tgt_idx_hbm.at[pl.ds(base, _BPW)], idx_t_v)
    pltpu.sync_copy(ctx_idx_hbm.at[pl.ds(base, _BPW)], idx_c_v)
    pltpu.sync_copy(neg_idx_hbm.at[:, pl.ds(base, _BPW)], idx_n_v)

    def fire(c):
        par = lax.rem(c, _NBUF)
        po = par * _CHUNK
        o = c * _CHUNK
        s_b = sems.at[par]
        pltpu.async_copy(
            in_emb_hbm.at[idx_t_v.at[pl.ds(o, _CHUNK)]],
            tgt_v.at[pl.ds(po, _CHUNK), :], s_b)
        pltpu.async_copy(
            out_emb_hbm.at[idx_c_v.at[pl.ds(o, _CHUNK)]],
            ctx_v.at[pl.ds(po, _CHUNK), :], s_b)
        for k in range(NEG):
            pltpu.async_copy(
                out_emb_hbm.at[idx_n_v.at[k, pl.ds(o, _CHUNK)]],
                neg_v.at[pl.ds(po * NEG + k * _CHUNK, _CHUNK), :], s_b)

    def wait(c):
        par = lax.rem(c, _NBUF)
        po = par * _CHUNK
        s_b = sems.at[par]
        pltpu.make_async_copy(
            in_emb_hbm.at[idx_t_v.at[pl.ds(0, _CHUNK)]],
            tgt_v.at[pl.ds(po, _CHUNK), :], s_b).wait()
        pltpu.make_async_copy(
            out_emb_hbm.at[idx_c_v.at[pl.ds(0, _CHUNK)]],
            ctx_v.at[pl.ds(po, _CHUNK), :], s_b).wait()
        for k in range(NEG):
            pltpu.make_async_copy(
                out_emb_hbm.at[idx_n_v.at[k, pl.ds(0, _CHUNK)]],
                neg_v.at[pl.ds(po * NEG + k * _CHUNK, _CHUNK), :], s_b).wait()

    lanes = lax.iota(jnp.int32, _L)
    zero = jnp.zeros((_L,), jnp.float32)

    def compute(c):
        par = lax.rem(c, _NBUF)
        po = par * _CHUNK
        off = c * _CHUNK

        def group_body(g, _):
            def row_body(i, res):
                r = g * _L + i
                accs = [zero for _ in range(1 + NEG)]
                for q in range(DIM // _L):
                    sl = pl.ds(q * _L, _L)
                    t = tgt_v[po + r, sl]
                    accs[0] = accs[0] + t * ctx_v[po + r, sl]
                    for k in range(NEG):
                        accs[1 + k] = accs[1 + k] + t * neg_v[
                            po * NEG + k * _CHUNK + r, sl]
                m = lanes == i
                return tuple(
                    jnp.where(m, jnp.sum(a), res[d]) for d, a in enumerate(accs)
                )

            res = lax.fori_loop(0, _L, row_body, (zero,) * (1 + NEG))
            v = off + g * _L
            scores_v[NEG, pl.ds(v, _L)] = res[0]
            for k in range(NEG):
                scores_v[k, pl.ds(v, _L)] = res[1 + k]
            return 0

        lax.fori_loop(0, _NGROUPS, group_body, 0)

    for c0 in range(_NBUF - 1):
        fire(c0)

    def chunk_body(c, _):
        @pl.when(c + _NBUF - 1 < _NCHUNKS)
        def _():
            fire(c + _NBUF - 1)

        wait(c)
        compute(c)
        return 0

    lax.fori_loop(0, _NCHUNKS, chunk_body, 0)

    pltpu.sync_copy(scores_v, scores_out_hbm.at[:, pl.ds(base, _BPW)])


def _loss_body(scores_ref, pos_loss_ref, neg_loss_ref):
    sc = scores_ref[...]
    p = sc[NEG:, :]
    lsp = jnp.minimum(p, 0.0) - jnp.log1p(jnp.exp(-jnp.abs(p)))
    pos_loss_ref[0, 0] = -jnp.sum(lsp) / float(BATCH)
    x = -sc[:NEG, :]
    lsn = jnp.minimum(x, 0.0) - jnp.log1p(jnp.exp(-jnp.abs(x)))
    neg_loss_ref[0, 0] = -jnp.sum(lsn) / float(BATCH * NEG)


_loss_call = pl.pallas_call(
    _loss_body,
    out_shape=(
        jax.ShapeDtypeStruct((1, 1), jnp.float32),
        jax.ShapeDtypeStruct((1, 1), jnp.float32),
    ),
    out_specs=(
        pl.BlockSpec(memory_space=pltpu.SMEM),
        pl.BlockSpec(memory_space=pltpu.SMEM),
    ),
)


def kernel(target_words, context_words, negative_words, input_emb, output_emb):
    tw = target_words.astype(jnp.int32)
    cw = context_words.astype(jnp.int32)
    nw = negative_words.astype(jnp.int32).T
    scores = _sc_scores(tw, cw, nw, input_emb, output_emb)
    pos_loss, neg_loss = _loss_call(scores)
    return (pos_loss[0, 0], neg_loss[0, 0])

# --- scband reference (transcript-rebuilt; emitter-appended) ---
"""Pipeline reference for scband-skip-gram-negative-sampling-90254442758233 (READ-ONLY COPY).

The authoritative reference and input builder live on the scoring server;
editing this copy changes nothing except your own understanding.
"""

import jax, jax.numpy as jnp
import numpy as np

VOCAB = 100000
DIM = 128
BATCH = 16384
NEG = 5

def setup_inputs(seed: int = 0) -> dict:
    key = jax.random.key(seed)
    k1, k2, k3, k4, k5 = jax.random.split(key, 5)
    target_words = jax.random.randint(k1, (BATCH,), 0, VOCAB, dtype=jnp.int64 if jax.config.jax_enable_x64 else jnp.int32)
    context_words = jax.random.randint(k2, (BATCH,), 0, VOCAB, dtype=jnp.int64 if jax.config.jax_enable_x64 else jnp.int32)
    negative_words = jax.random.randint(k3, (BATCH, NEG), 0, VOCAB, dtype=jnp.int64 if jax.config.jax_enable_x64 else jnp.int32)
    bound = 0.5 / DIM
    input_emb = jax.random.uniform(k4, (VOCAB, DIM), dtype=jnp.float32, minval=-bound, maxval=bound)
    output_emb = jax.random.normal(k5, (VOCAB, DIM), dtype=jnp.float32) * 0.01
    return {"target_words": target_words, "context_words": context_words, "negative_words": negative_words, "input_emb": input_emb, "output_emb": output_emb}

def reference(target_words, context_words, negative_words, input_emb, output_emb):
    # Skip-gram with negative sampling forward
    target_embeddings = jnp.take(input_emb, target_words, axis=0)              # (B, D)
    context_embeddings = jnp.take(output_emb, context_words, axis=0)           # (B, D)
    positive_scores = jnp.sum(target_embeddings * context_embeddings, axis=1)  # (B,)
    positive_loss = -jnp.mean(jax.nn.log_sigmoid(positive_scores))
    negative_embeddings = jnp.take(output_emb, negative_words, axis=0)         # (B, K, D)
    target_expanded = target_embeddings[:, None, :]                            # (B, 1, D)
    negative_scores = jnp.sum(target_expanded * negative_embeddings, axis=2)   # (B, K)
    negative_loss = -jnp.mean(jax.nn.log_sigmoid(-negative_scores))
    return (positive_loss, negative_loss)

if __name__ == "__main__":
    import jax
    _d = setup_inputs()
    print(jax.jit(kernel)(*tuple(_d.values())))

</pallas_src>

<mosaic_0001>
#map = affine_map<(d0, d1) -> (0)>
#map1 = affine_map<(d0, d1) -> (0, 0)>
module attributes {stable_mosaic.version = 14 : i64} {
  func.func @_sc_scores(%arg0: i32, %arg1: i32, %arg2: memref<16384xi32, #tpu.memory_space<hbm>>, %arg3: memref<16384xi32, #tpu.memory_space<hbm>>, %arg4: memref<5x16384xi32, #tpu.memory_space<hbm>>, %arg5: memref<100000x128xf32, #tpu.memory_space<hbm>>, %arg6: memref<100000x128xf32, #tpu.memory_space<hbm>>, %arg7: memref<6x16384xf32, #tpu.memory_space<hbm>>, %arg8: memref<512xi32, #tpu.memory_space<vmem>>, %arg9: memref<512xi32, #tpu.memory_space<vmem>>, %arg10: memref<5x512xi32, #tpu.memory_space<vmem>>, %arg11: memref<96x128xf32, #tpu.memory_space<vmem>>, %arg12: memref<96x128xf32, #tpu.memory_space<vmem>>, %arg13: memref<480x128xf32, #tpu.memory_space<vmem>>, %arg14: memref<6x512xf32, #tpu.memory_space<vmem>>, %arg15: memref<6x!tpu.dma_semaphore, #tpu.memory_space<semaphore_mem>>) attributes {dimension_semantics = [#tpu.dimension_semantics<core_parallel>, #tpu.dimension_semantics<subcore_parallel>], iteration_bounds = array<i64: 2, 16>, scalar_prefetch = 0 : i64, scratch_operands = 8 : i64, tpu.core_type = #tpu.core_type<sc_vector_subcore>, window_params = [{transform_indices = #map}, {transform_indices = #map}, {transform_indices = #map1}, {transform_indices = #map1}, {transform_indices = #map1}, {transform_indices = #map1}]} {
    %mul3A = arith.constant 2 : i32
    %mul3A_0 = arith.muli %arg1, %mul3A : i32
    %add3A = arith.addi %mul3A_0, %arg0 : i32
    %mul3A_1 = arith.constant 512 : i32
    %mul3A_2 = arith.muli %add3A, %mul3A_1 : i32
    "tpu.region"() ({
      %run_scoped3A = tpu.sem_alloc : memref<!tpu.dma_semaphore, #tpu.memory_space<semaphore_mem>>
      %dma_start3A_498 = tpu.memref_slice %arg2[%mul3A_2] : memref<16384xi32, #tpu.memory_space<hbm>> -> memref<512xi32, #tpu.memory_space<hbm>>
      %dma_start3A_499 = tpu.memref_slice %arg2[%mul3A_2] : memref<16384xi32, #tpu.memory_space<hbm>> -> memref<512xi32, #tpu.memory_space<hbm>>
      tpu.enqueue_dma source(%dma_start3A_499 : memref<512xi32, #tpu.memory_space<hbm>>) target(%arg8 : memref<512xi32, #tpu.memory_space<vmem>>) target_semaphore(%run_scoped3A : memref<!tpu.dma_semaphore, #tpu.memory_space<semaphore_mem>>)
      %dma_wait3A = tpu.memref_slice %arg2[%mul3A_2] : memref<16384xi32, #tpu.memory_space<hbm>> -> memref<512xi32, #tpu.memory_space<hbm>>
      %dma_wait3A_500 = tpu.memref_slice %arg2[%mul3A_2] : memref<16384xi32, #tpu.memory_space<hbm>> -> memref<512xi32, #tpu.memory_space<hbm>>
      tpu.wait_dma2 semaphore(%run_scoped3A : memref<!tpu.dma_semaphore, #tpu.memory_space<semaphore_mem>>) src(%dma_wait3A_500 : memref<512xi32, #tpu.memory_space<hbm>>) dst(%arg8 : memref<512xi32, #tpu.memory_space<vmem>>)
      tpu.yield
    }) : () -> ()
    "tpu.region"() ({
      %run_scoped3A = tpu.sem_alloc : memref<!tpu.dma_semaphore, #tpu.memory_space<semaphore_mem>>
      %dma_start3A_498 = tpu.memref_slice %arg3[%mul3A_2] : memref<16384xi32, #tpu.memory_space<hbm>> -> memref<512xi32, #tpu.memory_space<hbm>>
      %dma_start3A_499 = tpu.memref_slice %arg3[%mul3A_2] : memref<16384xi32, #tpu.memory_space<hbm>> -> memref<512xi32, #tpu.memory_space<hbm>>
      tpu.enqueue_dma source(%dma_start3A_499 : memref<512xi32, #tpu.memory_space<hbm>>) target(%arg9 : memref<512xi32, #tpu.memory_space<vmem>>) target_semaphore(%run_scoped3A : memref<!tpu.dma_semaphore, #tpu.memory_space<semaphore_mem>>)
      %dma_wait3A = tpu.memref_slice %arg3[%mul3A_2] : memref<16384xi32, #tpu.memory_space<hbm>> -> memref<512xi32, #tpu.memory_space<hbm>>
      %dma_wait3A_500 = tpu.memref_slice %arg3[%mul3A_2] : memref<16384xi32, #tpu.memory_space<hbm>> -> memref<512xi32, #tpu.memory_space<hbm>>
      tpu.wait_dma2 semaphore(%run_scoped3A : memref<!tpu.dma_semaphore, #tpu.memory_space<semaphore_mem>>) src(%dma_wait3A_500 : memref<512xi32, #tpu.memory_space<hbm>>) dst(%arg9 : memref<512xi32, #tpu.memory_space<vmem>>)
      tpu.yield
    }) : () -> ()
    "tpu.region"() ({
      %run_scoped3A = tpu.sem_alloc : memref<!tpu.dma_semaphore, #tpu.memory_space<semaphore_mem>>
      %dma_start3A_498 = arith.constant 0 : i32
      %dma_start3A_499 = tpu.memref_slice %arg4[%dma_start3A_498, %mul3A_2] : memref<5x16384xi32, #tpu.memory_space<hbm>> -> memref<5x512xi32, #tpu.memory_space<hbm>>
      %dma_start3A_500 = arith.constant 0 : i32
      %dma_start3A_501 = tpu.memref_slice %arg4[%dma_start3A_500, %mul3A_2] : memref<5x16384xi32, #tpu.memory_space<hbm>> -> memref<5x512xi32, #tpu.memory_space<hbm>>
      tpu.enqueue_dma source(%dma_start3A_501 : memref<5x512xi32, #tpu.memory_space<hbm>>) target(%arg10 : memref<5x512xi32, #tpu.memory_space<vmem>>) target_semaphore(%run_scoped3A : memref<!tpu.dma_semaphore, #tpu.memory_space<semaphore_mem>>)
      %dma_wait3A = arith.constant 0 : i32
      %dma_wait3A_502 = tpu.memref_slice %arg4[%dma_wait3A, %mul3A_2] : memref<5x16384xi32, #tpu.memory_space<hbm>> -> memref<5x512xi32, #tpu.memory_space<hbm>>
      %dma_wait3A_503 = arith.constant 0 : i32
      %dma_wait3A_504 = tpu.memref_slice %arg4[%dma_wait3A_503, %mul3A_2] : memref<5x16384xi32, #tpu.memory_space<hbm>> -> memref<5x512xi32, #tpu.memory_space<hbm>>
      tpu.wait_dma2 semaphore(%run_scoped3A : memref<!tpu.dma_semaphore, #tpu.memory_space<semaphore_mem>>) src(%dma_wait3A_504 : memref<5x512xi32, #tpu.memory_space<hbm>>) dst(%arg10 : memref<5x512xi32, #tpu.memory_space<vmem>>)
      tpu.yield
    }) : () -> ()
    %iota3A = tpu.iota {dimensions = array<i32: 0>} : vector<16xi32>
    %broadcast_in_dim3A = arith.constant 0.000000e+00 : f32
    %broadcast_in_dim3A_3 = vector.broadcast %broadcast_in_dim3A : f32 to vector<16xf32>
    %rem3A = arith.constant 0 : i32
    %rem3A_4 = arith.constant 6 : i32
    %rem3A_5 = arith.remsi %rem3A, %rem3A_4 : i32
    %mul3A_6 = arith.constant 16 : i32
    %mul3A_7 = arith.muli %rem3A_5, %mul3A_6 : i32
    %dma_start3A = arith.constant 0 : i32
    %dma_start3A_8 = tpu.memref_slice %arg11[%mul3A_7, %dma_start3A] : memref<96x128xf32, #tpu.memory_space<vmem>> -> memref<16x128xf32, #tpu.memory_space<vmem>>
    %dma_start3A_9 = arith.constant 0 : i32
    %dma_start3A_10 = tpu.memref_slice %arg8[%dma_start3A_9] : memref<512xi32, #tpu.memory_space<vmem>> -> memref<16xi32, #tpu.memory_space<vmem>>
    %dma_start3A_11 = arith.constant 0 : i32
    %dma_start3A_12 = arith.constant 0 : i32
    %dma_start3A_13 = tpu.memref_slice %arg5[%dma_start3A_11, %dma_start3A_12] : memref<100000x128xf32, #tpu.memory_space<hbm>> -> memref<100000x128xf32, #tpu.memory_space<hbm>>
    %dma_start3A_14 = tpu.memref_slice %arg15[%rem3A_5] : memref<6x!tpu.dma_semaphore, #tpu.memory_space<semaphore_mem>> -> memref<1x!tpu.dma_semaphore, #tpu.memory_space<semaphore_mem>>
    %dma_start3A_15 = tpu.memref_squeeze %dma_start3A_14 : memref<1x!tpu.dma_semaphore, #tpu.memory_space<semaphore_mem>> -> memref<!tpu.dma_semaphore, #tpu.memory_space<semaphore_mem>>
    tpu.enqueue_indirect_dma source(%dma_start3A_13 : memref<100000x128xf32, #tpu.memory_space<hbm>>) target(%dma_start3A_8 : memref<16x128xf32, #tpu.memory_space<vmem>>) offsets(%dma_start3A_10 : memref<16xi32, #tpu.memory_space<vmem>>) semaphore(%dma_start3A_15 : memref<!tpu.dma_semaphore, #tpu.memory_space<semaphore_mem>>)
    %dma_start3A_16 = arith.constant 0 : i32
    %dma_start3A_17 = tpu.memref_slice %arg12[%mul3A_7, %dma_start3A_16] : memref<96x128xf32, #tpu.memory_space<vmem>> -> memref<16x128xf32, #tpu.memory_space<vmem>>
    %dma_start3A_18 = arith.constant 0 : i32
    %dma_start3A_19 = tpu.memref_slice %arg9[%dma_start3A_18] : memref<512xi32, #tpu.memory_space<vmem>> -> memref<16xi32, #tpu.memory_space<vmem>>
    %dma_start3A_20 = arith.constant 0 : i32
    %dma_start3A_21 = arith.constant 0 : i32
    %dma_start3A_22 = tpu.memref_slice %arg6[%dma_start3A_20, %dma_start3A_21] : memref<100000x128xf32, #tpu.memory_space<hbm>> -> memref<100000x128xf32, #tpu.memory_space<hbm>>
    %dma_start3A_23 = tpu.memref_slice %arg15[%rem3A_5] : memref<6x!tpu.dma_semaphore, #tpu.memory_space<semaphore_mem>> -> memref<1x!tpu.dma_semaphore, #tpu.memory_space<semaphore_mem>>
    %dma_start3A_24 = tpu.memref_squeeze %dma_start3A_23 : memref<1x!tpu.dma_semaphore, #tpu.memory_space<semaphore_mem>> -> memref<!tpu.dma_semaphore, #tpu.memory_space<semaphore_mem>>
    tpu.enqueue_indirect_dma source(%dma_start3A_22 : memref<100000x128xf32, #tpu.memory_space<hbm>>) target(%dma_start3A_17 : memref<16x128xf32, #tpu.memory_space<vmem>>) offsets(%dma_start3A_19 : memref<16xi32, #tpu.memory_space<vmem>>) semaphore(%dma_start3A_24 : memref<!tpu.dma_semaphore, #tpu.memory_space<semaphore_mem>>)
    %mul3A_25 = arith.constant 5 : i32
    %mul3A_26 = arith.muli %mul3A_7, %mul3A_25 : i32
    %add3A_27 = arith.constant 0 : i32
    %add3A_28 = arith.addi %mul3A_26, %add3A_27 : i32
    %dma_start3A_29 = arith.constant 0 : i32
    %dma_start3A_30 = arith.constant 0 : i32
    %dma_start3A_31 = tpu.memref_slice %arg13[%add3A_28, %dma_start3A_30] : memref<480x128xf32, #tpu.memory_space<vmem>> -> memref<16x128xf32, #tpu.memory_space<vmem>>
    %dma_start3A_32 = arith.constant 0 : i32
    %dma_start3A_33 = tpu.memref_slice %arg10[%dma_start3A_29, %dma_start3A_32] : memref<5x512xi32, #tpu.memory_space<vmem>> -> memref<1x16xi32, #tpu.memory_space<vmem>>
    %dma_start3A_34 = tpu.memref_squeeze %dma_start3A_33 : memref<1x16xi32, #tpu.memory_space<vmem>> -> memref<16xi32, #tpu.memory_space<vmem>>
    %dma_start3A_35 = arith.constant 0 : i32
    %dma_start3A_36 = arith.constant 0 : i32
    %dma_start3A_37 = tpu.memref_slice %arg6[%dma_start3A_35, %dma_start3A_36] : memref<100000x128xf32, #tpu.memory_space<hbm>> -> memref<100000x128xf32, #tpu.memory_space<hbm>>
    %dma_start3A_38 = tpu.memref_slice %arg15[%rem3A_5] : memref<6x!tpu.dma_semaphore, #tpu.memory_space<semaphore_mem>> -> memref<1x!tpu.dma_semaphore, #tpu.memory_space<semaphore_mem>>
    %dma_start3A_39 = tpu.memref_squeeze %dma_start3A_38 : memref<1x!tpu.dma_semaphore, #tpu.memory_space<semaphore_mem>> -> memref<!tpu.dma_semaphore, #tpu.memory_space<semaphore_mem>>
    tpu.enqueue_indirect_dma source(%dma_start3A_37 : memref<100000x128xf32, #tpu.memory_space<hbm>>) target(%dma_start3A_31 : memref<16x128xf32, #tpu.memory_space<vmem>>) offsets(%dma_start3A_34 : memref<16xi32, #tpu.memory_space<vmem>>) semaphore(%dma_start3A_39 : memref<!tpu.dma_semaphore, #tpu.memory_space<semaphore_mem>>)
    %mul3A_40 = arith.constant 5 : i32
    %mul3A_41 = arith.muli %mul3A_7, %mul3A_40 : i32
    %add3A_42 = arith.constant 16 : i32
    %add3A_43 = arith.addi %mul3A_41, %add3A_42 : i32
    %dma_start3A_44 = arith.constant 1 : i32
    %dma_start3A_45 = arith.constant 0 : i32
    %dma_start3A_46 = tpu.memref_slice %arg13[%add3A_43, %dma_start3A_45] : memref<480x128xf32, #tpu.memory_space<vmem>> -> memref<16x128xf32, #tpu.memory_space<vmem>>
    %dma_start3A_47 = arith.constant 0 : i32
    %dma_start3A_48 = tpu.memref_slice %arg10[%dma_start3A_44, %dma_start3A_47] : memref<5x512xi32, #tpu.memory_space<vmem>> -> memref<1x16xi32, #tpu.memory_space<vmem>>
    %dma_start3A_49 = tpu.memref_squeeze %dma_start3A_48 : memref<1x16xi32, #tpu.memory_space<vmem>> -> memref<16xi32, #tpu.memory_space<vmem>>
    %dma_start3A_50 = arith.constant 0 : i32
    %dma_start3A_51 = arith.constant 0 : i32
    %dma_start3A_52 = tpu.memref_slice %arg6[%dma_start3A_50, %dma_start3A_51] : memref<100000x128xf32, #tpu.memory_space<hbm>> -> memref<100000x128xf32, #tpu.memory_space<hbm>>
    %dma_start3A_53 = tpu.memref_slice %arg15[%rem3A_5] : memref<6x!tpu.dma_semaphore, #tpu.memory_space<semaphore_mem>> -> memref<1x!tpu.dma_semaphore, #tpu.memory_space<semaphore_mem>>
    %dma_start3A_54 = tpu.memref_squeeze %dma_start3A_53 : memref<1x!tpu.dma_semaphore, #tpu.memory_space<semaphore_mem>> -> memref<!tpu.dma_semaphore, #tpu.memory_space<semaphore_mem>>
    tpu.enqueue_indirect_dma source(%dma_start3A_52 : memref<100000x128xf32, #tpu.memory_space<hbm>>) target(%dma_start3A_46 : memref<16x128xf32, #tpu.memory_space<vmem>>) offsets(%dma_start3A_49 : memref<16xi32, #tpu.memory_space<vmem>>) semaphore(%dma_start3A_54 : memref<!tpu.dma_semaphore, #tpu.memory_space<semaphore_mem>>)
    %mul3A_55 = arith.constant 5 : i32
    %mul3A_56 = arith.muli %mul3A_7, %mul3A_55 : i32
    %add3A_57 = arith.constant 32 : i32
    %add3A_58 = arith.addi %mul3A_56, %add3A_57 : i32
    %dma_start3A_59 = arith.constant 2 : i32
    %dma_start3A_60 = arith.constant 0 : i32
    %dma_start3A_61 = tpu.memref_slice %arg13[%add3A_58, %dma_start3A_60] : memref<480x128xf32, #tpu.memory_space<vmem>> -> memref<16x128xf32, #tpu.memory_space<vmem>>
    %dma_start3A_62 = arith.constant 0 : i32
    %dma_start3A_63 = tpu.memref_slice %arg10[%dma_start3A_59, %dma_start3A_62] : memref<5x512xi32, #tpu.memory_space<vmem>> -> memref<1x16xi32, #tpu.memory_space<vmem>>
    %dma_start3A_64 = tpu.memref_squeeze %dma_start3A_63 : memref<1x16xi32, #tpu.memory_space<vmem>> -> memref<16xi32, #tpu.memory_space<vmem>>
    %dma_start3A_65 = arith.constant 0 : i32
    %dma_start3A_66 = arith.constant 0 : i32
    %dma_start3A_67 = tpu.memref_slice %arg6[%dma_start3A_65, %dma_start3A_66] : memref<100000x128xf32, #tpu.memory_space<hbm>> -> memref<100000x128xf32, #tpu.memory_space<hbm>>
    %dma_start3A_68 = tpu.memref_slice %arg15[%rem3A_5] : memref<6x!tpu.dma_semaphore, #tpu.memory_space<semaphore_mem>> -> memref<1x!tpu.dma_semaphore, #tpu.memory_space<semaphore_mem>>
    %dma_start3A_69 = tpu.memref_squeeze %dma_start3A_68 : memref<1x!tpu.dma_semaphore, #tpu.memory_space<semaphore_mem>> -> memref<!tpu.dma_semaphore, #tpu.memory_space<semaphore_mem>>
    tpu.enqueue_indirect_dma source(%dma_start3A_67 : memref<100000x128xf32, #tpu.memory_space<hbm>>) target(%dma_start3A_61 : memref<16x128xf32, #tpu.memory_space<vmem>>) offsets(%dma_start3A_64 : memref<16xi32, #tpu.memory_space<vmem>>) semaphore(%dma_start3A_69 : memref<!tpu.dma_semaphore, #tpu.memory_space<semaphore_mem>>)
    %mul3A_70 = arith.constant 5 : i32
    %mul3A_71 = arith.muli %mul3A_7, %mul3A_70 : i32
    %add3A_72 = arith.constant 48 : i32
    %add3A_73 = arith.addi %mul3A_71, %add3A_72 : i32
    %dma_start3A_74 = arith.constant 3 : i32
    %dma_start3A_75 = arith.constant 0 : i32
    %dma_start3A_76 = tpu.memref_slice %arg13[%add3A_73, %dma_start3A_75] : memref<480x128xf32, #tpu.memory_space<vmem>> -> memref<16x128xf32, #tpu.memory_space<vmem>>
    %dma_start3A_77 = arith.constant 0 : i32
    %dma_start3A_78 = tpu.memref_slice %arg10[%dma_start3A_74, %dma_start3A_77] : memref<5x512xi32, #tpu.memory_space<vmem>> -> memref<1x16xi32, #tpu.memory_space<vmem>>
    %dma_start3A_79 = tpu.memref_squeeze %dma_start3A_78 : memref<1x16xi32, #tpu.memory_space<vmem>> -> memref<16xi32, #tpu.memory_space<vmem>>
    %dma_start3A_80 = arith.constant 0 : i32
    %dma_start3A_81 = arith.constant 0 : i32
    %dma_start3A_82 = tpu.memref_slice %arg6[%dma_start3A_80, %dma_start3A_81] : memref<100000x128xf32, #tpu.memory_space<hbm>> -> memref<100000x128xf32, #tpu.memory_space<hbm>>
    %dma_start3A_83 = tpu.memref_slice %arg15[%rem3A_5] : memref<6x!tpu.dma_semaphore, #tpu.memory_space<semaphore_mem>> -> memref<1x!tpu.dma_semaphore, #tpu.memory_space<semaphore_mem>>
    %dma_start3A_84 = tpu.memref_squeeze %dma_start3A_83 : memref<1x!tpu.dma_semaphore, #tpu.memory_space<semaphore_mem>> -> memref<!tpu.dma_semaphore, #tpu.memory_space<semaphore_mem>>
    tpu.enqueue_indirect_dma source(%dma_start3A_82 : memref<100000x128xf32, #tpu.memory_space<hbm>>) target(%dma_start3A_76 : memref<16x128xf32, #tpu.memory_space<vmem>>) offsets(%dma_start3A_79 : memref<16xi32, #tpu.memory_space<vmem>>) semaphore(%dma_start3A_84 : memref<!tpu.dma_semaphore, #tpu.memory_space<semaphore_mem>>)
    %mul3A_85 = arith.constant 5 : i32
    %mul3A_86 = arith.muli %mul3A_7, %mul3A_85 : i32
    %add3A_87 = arith.constant 64 : i32
    %add3A_88 = arith.addi %mul3A_86, %add3A_87 : i32
    %dma_start3A_89 = arith.constant 4 : i32
    %dma_start3A_90 = arith.constant 0 : i32
    %dma_start3A_91 = tpu.memref_slice %arg13[%add3A_88, %dma_start3A_90] : memref<480x128xf32, #tpu.memory_space<vmem>> -> memref<16x128xf32, #tpu.memory_space<vmem>>
    %dma_start3A_92 = arith.constant 0 : i32
    %dma_start3A_93 = tpu.memref_slice %arg10[%dma_start3A_89, %dma_start3A_92] : memref<5x512xi32, #tpu.memory_space<vmem>> -> memref<1x16xi32, #tpu.memory_space<vmem>>
    %dma_start3A_94 = tpu.memref_squeeze %dma_start3A_93 : memref<1x16xi32, #tpu.memory_space<vmem>> -> memref<16xi32, #tpu.memory_space<vmem>>
    %dma_start3A_95 = arith.constant 0 : i32
    %dma_start3A_96 = arith.constant 0 : i32
    %dma_start3A_97 = tpu.memref_slice %arg6[%dma_start3A_95, %dma_start3A_96] : memref<100000x128xf32, #tpu.memory_space<hbm>> -> memref<100000x128xf32, #tpu.memory_space<hbm>>
    %dma_start3A_98 = tpu.memref_slice %arg15[%rem3A_5] : memref<6x!tpu.dma_semaphore, #tpu.memory_space<semaphore_mem>> -> memref<1x!tpu.dma_semaphore, #tpu.memory_space<semaphore_mem>>
    %dma_start3A_99 = tpu.memref_squeeze %dma_start3A_98 : memref<1x!tpu.dma_semaphore, #tpu.memory_space<semaphore_mem>> -> memref<!tpu.dma_semaphore, #tpu.memory_space<semaphore_mem>>
    tpu.enqueue_indirect_dma source(%dma_start3A_97 : memref<100000x128xf32, #tpu.memory_space<hbm>>) target(%dma_start3A_91 : memref<16x128xf32, #tpu.memory_space<vmem>>) offsets(%dma_start3A_94 : memref<16xi32, #tpu.memory_space<vmem>>) semaphore(%dma_start3A_99 : memref<!tpu.dma_semaphore, #tpu.memory_space<semaphore_mem>>)
    %rem3A_100 = arith.constant 1 : i32
    %rem3A_101 = arith.constant 6 : i32
    %rem3A_102 = arith.remsi %rem3A_100, %rem3A_101 : i32
    %mul3A_103 = arith.constant 16 : i32
    %mul3A_104 = arith.muli %rem3A_102, %mul3A_103 : i32
    %dma_start3A_105 = arith.constant 0 : i32
    %dma_start3A_106 = tpu.memref_slice %arg11[%mul3A_104, %dma_start3A_105] : memref<96x128xf32, #tpu.memory_space<vmem>> -> memref<16x128xf32, #tpu.memory_space<vmem>>
    %dma_start3A_107 = arith.constant 16 : i32
    %dma_start3A_108 = tpu.memref_slice %arg8[%dma_start3A_107] : memref<512xi32, #tpu.memory_space<vmem>> -> memref<16xi32, #tpu.memory_space<vmem>>
    %dma_start3A_109 = arith.constant 0 : i32
    %dma_start3A_110 = arith.constant 0 : i32
    %dma_start3A_111 = tpu.memref_slice %arg5[%dma_start3A_109, %dma_start3A_110] : memref<100000x128xf32, #tpu.memory_space<hbm>> -> memref<100000x128xf32, #tpu.memory_space<hbm>>
    %dma_start3A_112 = tpu.memref_slice %arg15[%rem3A_102] : memref<6x!tpu.dma_semaphore, #tpu.memory_space<semaphore_mem>> -> memref<1x!tpu.dma_semaphore, #tpu.memory_space<semaphore_mem>>
    %dma_start3A_113 = tpu.memref_squeeze %dma_start3A_112 : memref<1x!tpu.dma_semaphore, #tpu.memory_space<semaphore_mem>> -> memref<!tpu.dma_semaphore, #tpu.memory_space<semaphore_mem>>
    tpu.enqueue_indirect_dma source(%dma_start3A_111 : memref<100000x128xf32, #tpu.memory_space<hbm>>) target(%dma_start3A_106 : memref<16x128xf32, #tpu.memory_space<vmem>>) offsets(%dma_start3A_108 : memref<16xi32, #tpu.memory_space<vmem>>) semaphore(%dma_start3A_113 : memref<!tpu.dma_semaphore, #tpu.memory_space<semaphore_mem>>)
    %dma_start3A_114 = arith.constant 0 : i32
    %dma_start3A_115 = tpu.memref_slice %arg12[%mul3A_104, %dma_start3A_114] : memref<96x128xf32, #tpu.memory_space<vmem>> -> memref<16x128xf32, #tpu.memory_space<vmem>>
    %dma_start3A_116 = arith.constant 16 : i32
    %dma_start3A_117 = tpu.memref_slice %arg9[%dma_start3A_116] : memref<512xi32, #tpu.memory_space<vmem>> -> memref<16xi32, #tpu.memory_space<vmem>>
    %dma_start3A_118 = arith.constant 0 : i32
    %dma_start3A_119 = arith.constant 0 : i32
    %dma_start3A_120 = tpu.memref_slice %arg6[%dma_start3A_118, %dma_start3A_119] : memref<100000x128xf32, #tpu.memory_space<hbm>> -> memref<100000x128xf32, #tpu.memory_space<hbm>>
    %dma_start3A_121 = tpu.memref_slice %arg15[%rem3A_102] : memref<6x!tpu.dma_semaphore, #tpu.memory_space<semaphore_mem>> -> memref<1x!tpu.dma_semaphore, #tpu.memory_space<semaphore_mem>>
    %dma_start3A_122 = tpu.memref_squeeze %dma_start3A_121 : memref<1x!tpu.dma_semaphore, #tpu.memory_space<semaphore_mem>> -> memref<!tpu.dma_semaphore, #tpu.memory_space<semaphore_mem>>
    tpu.enqueue_indirect_dma source(%dma_start3A_120 : memref<100000x128xf32, #tpu.memory_space<hbm>>) target(%dma_start3A_115 : memref<16x128xf32, #tpu.memory_space<vmem>>) offsets(%dma_start3A_117 : memref<16xi32, #tpu.memory_space<vmem>>) semaphore(%dma_start3A_122 : memref<!tpu.dma_semaphore, #tpu.memory_space<semaphore_mem>>)
    %mul3A_123 = arith.constant 5 : i32
    %mul3A_124 = arith.muli %mul3A_104, %mul3A_123 : i32
    %add3A_125 = arith.constant 0 : i32
    %add3A_126 = arith.addi %mul3A_124, %add3A_125 : i32
    %dma_start3A_127 = arith.constant 0 : i32
    %dma_start3A_128 = arith.constant 0 : i32
    %dma_start3A_129 = tpu.memref_slice %arg13[%add3A_126, %dma_start3A_128] : memref<480x128xf32, #tpu.memory_space<vmem>> -> memref<16x128xf32, #tpu.memory_space<vmem>>
    %dma_start3A_130 = arith.constant 16 : i32
    %dma_start3A_131 = tpu.memref_slice %arg10[%dma_start3A_127, %dma_start3A_130] : memref<5x512xi32, #tpu.memory_space<vmem>> -> memref<1x16xi32, #tpu.memory_space<vmem>>
    %dma_start3A_132 = tpu.memref_squeeze %dma_start3A_131 : memref<1x16xi32, #tpu.memory_space<vmem>> -> memref<16xi32, #tpu.memory_space<vmem>>
    %dma_start3A_133 = arith.constant 0 : i32
    %dma_start3A_134 = arith.constant 0 : i32
    %dma_start3A_135 = tpu.memref_slice %arg6[%dma_start3A_133, %dma_start3A_134] : memref<100000x128xf32, #tpu.memory_space<hbm>> -> memref<100000x128xf32, #tpu.memory_space<hbm>>
    %dma_start3A_136 = tpu.memref_slice %arg15[%rem3A_102] : memref<6x!tpu.dma_semaphore, #tpu.memory_space<semaphore_mem>> -> memref<1x!tpu.dma_semaphore, #tpu.memory_space<semaphore_mem>>
    %dma_start3A_137 = tpu.memref_squeeze %dma_start3A_136 : memref<1x!tpu.dma_semaphore, #tpu.memory_space<semaphore_mem>> -> memref<!tpu.dma_semaphore, #tpu.memory_space<semaphore_mem>>
    tpu.enqueue_indirect_dma source(%dma_start3A_135 : memref<100000x128xf32, #tpu.memory_space<hbm>>) target(%dma_start3A_129 : memref<16x128xf32, #tpu.memory_space<vmem>>) offsets(%dma_start3A_132 : memref<16xi32, #tpu.memory_space<vmem>>) semaphore(%dma_start3A_137 : memref<!tpu.dma_semaphore, #tpu.memory_space<semaphore_mem>>)
    %mul3A_138 = arith.constant 5 : i32
    %mul3A_139 = arith.muli %mul3A_104, %mul3A_138 : i32
    %add3A_140 = arith.constant 16 : i32
    %add3A_141 = arith.addi %mul3A_139, %add3A_140 : i32
    %dma_start3A_142 = arith.constant 1 : i32
    %dma_start3A_143 = arith.constant 0 : i32
    %dma_start3A_144 = tpu.memref_slice %arg13[%add3A_141, %dma_start3A_143] : memref<480x128xf32, #tpu.memory_space<vmem>> -> memref<16x128xf32, #tpu.memory_space<vmem>>
    %dma_start3A_145 = arith.constant 16 : i32
    %dma_start3A_146 = tpu.memref_slice %arg10[%dma_start3A_142, %dma_start3A_145] : memref<5x512xi32, #tpu.memory_space<vmem>> -> memref<1x16xi32, #tpu.memory_space<vmem>>
    %dma_start3A_147 = tpu.memref_squeeze %dma_start3A_146 : memref<1x16xi32, #tpu.memory_space<vmem>> -> memref<16xi32, #tpu.memory_space<vmem>>
    %dma_start3A_148 = arith.constant 0 : i32
    %dma_start3A_149 = arith.constant 0 : i32
    %dma_start3A_150 = tpu.memref_slice %arg6[%dma_start3A_148, %dma_start3A_149] : memref<100000x128xf32, #tpu.memory_space<hbm>> -> memref<100000x128xf32, #tpu.memory_space<hbm>>
    %dma_start3A_151 = tpu.memref_slice %arg15[%rem3A_102] : memref<6x!tpu.dma_semaphore, #tpu.memory_space<semaphore_mem>> -> memref<1x!tpu.dma_semaphore, #tpu.memory_space<semaphore_mem>>
    %dma_start3A_152 = tpu.memref_squeeze %dma_start3A_151 : memref<1x!tpu.dma_semaphore, #tpu.memory_space<semaphore_mem>> -> memref<!tpu.dma_semaphore, #tpu.memory_space<semaphore_mem>>
    tpu.enqueue_indirect_dma source(%dma_start3A_150 : memref<100000x128xf32, #tpu.memory_space<hbm>>) target(%dma_start3A_144 : memref<16x128xf32, #tpu.memory_space<vmem>>) offsets(%dma_start3A_147 : memref<16xi32, #tpu.memory_space<vmem>>) semaphore(%dma_start3A_152 : memref<!tpu.dma_semaphore, #tpu.memory_space<semaphore_mem>>)
    %mul3A_153 = arith.constant 5 : i32
    %mul3A_154 = arith.muli %mul3A_104, %mul3A_153 : i32
    %add3A_155 = arith.constant 32 : i32
    %add3A_156 = arith.addi %mul3A_154, %add3A_155 : i32
    %dma_start3A_157 = arith.constant 2 : i32
    %dma_start3A_158 = arith.constant 0 : i32
    %dma_start3A_159 = tpu.memref_slice %arg13[%add3A_156, %dma_start3A_158] : memref<480x128xf32, #tpu.memory_space<vmem>> -> memref<16x128xf32, #tpu.memory_space<vmem>>
    %dma_start3A_160 = arith.constant 16 : i32
    %dma_start3A_161 = tpu.memref_slice %arg10[%dma_start3A_157, %dma_start3A_160] : memref<5x512xi32, #tpu.memory_space<vmem>> -> memref<1x16xi32, #tpu.memory_space<vmem>>
    %dma_start3A_162 = tpu.memref_squeeze %dma_start3A_161 : memref<1x16xi32, #tpu.memory_space<vmem>> -> memref<16xi32, #tpu.memory_space<vmem>>
    %dma_start3A_163 = arith.constant 0 : i32
    %dma_start3A_164 = arith.constant 0 : i32
    %dma_start3A_165 = tpu.memref_slice %arg6[%dma_start3A_163, %dma_start3A_164] : memref<100000x128xf32, #tpu.memory_space<hbm>> -> memref<100000x128xf32, #tpu.memory_space<hbm>>
    %dma_start3A_166 = tpu.memref_slice %arg15[%rem3A_102] : memref<6x!tpu.dma_semaphore, #tpu.memory_space<semaphore_mem>> -> memref<1x!tpu.dma_semaphore, #tpu.memory_space<semaphore_mem>>
    %dma_start3A_167 = tpu.memref_squeeze %dma_start3A_166 : memref<1x!tpu.dma_semaphore, #tpu.memory_space<semaphore_mem>> -> memref<!tpu.dma_semaphore, #tpu.memory_space<semaphore_mem>>
    tpu.enqueue_indirect_dma source(%dma_start3A_165 : memref<100000x128xf32, #tpu.memory_space<hbm>>) target(%dma_start3A_159 : memref<16x128xf32, #tpu.memory_space<vmem>>) offsets(%dma_start3A_162 : memref<16xi32, #tpu.memory_space<vmem>>) semaphore(%dma_start3A_167 : memref<!tpu.dma_semaphore, #tpu.memory_space<semaphore_mem>>)
    %mul3A_168 = arith.constant 5 : i32
    %mul3A_169 = arith.muli %mul3A_104, %mul3A_168 : i32
    %add3A_170 = arith.constant 48 : i32
    %add3A_171 = arith.addi %mul3A_169, %add3A_170 : i32
    %dma_start3A_172 = arith.constant 3 : i32
    %dma_start3A_173 = arith.constant 0 : i32
    %dma_start3A_174 = tpu.memref_slice %arg13[%add3A_171, %dma_start3A_173] : memref<480x128xf32, #tpu.memory_space<vmem>> -> memref<16x128xf32, #tpu.memory_space<vmem>>
    %dma_start3A_175 = arith.constant 16 : i32
    %dma_start3A_176 = tpu.memref_slice %arg10[%dma_start3A_172, %dma_start3A_175] : memref<5x512xi32, #tpu.memory_space<vmem>> -> memref<1x16xi32, #tpu.memory_space<vmem>>
    %dma_start3A_177 = tpu.memref_squeeze %dma_start3A_176 : memref<1x16xi32, #tpu.memory_space<vmem>> -> memref<16xi32, #tpu.memory_space<vmem>>
    %dma_start3A_178 = arith.constant 0 : i32
    %dma_start3A_179 = arith.constant 0 : i32
    %dma_start3A_180 = tpu.memref_slice %arg6[%dma_start3A_178, %dma_start3A_179] : memref<100000x128xf32, #tpu.memory_space<hbm>> -> memref<100000x128xf32, #tpu.memory_space<hbm>>
    %dma_start3A_181 = tpu.memref_slice %arg15[%rem3A_102] : memref<6x!tpu.dma_semaphore, #tpu.memory_space<semaphore_mem>> -> memref<1x!tpu.dma_semaphore, #tpu.memory_space<semaphore_mem>>
    %dma_start3A_182 = tpu.memref_squeeze %dma_start3A_181 : memref<1x!tpu.dma_semaphore, #tpu.memory_space<semaphore_mem>> -> memref<!tpu.dma_semaphore, #tpu.memory_space<semaphore_mem>>
    tpu.enqueue_indirect_dma source(%dma_start3A_180 : memref<100000x128xf32, #tpu.memory_space<hbm>>) target(%dma_start3A_174 : memref<16x128xf32, #tpu.memory_space<vmem>>) offsets(%dma_start3A_177 : memref<16xi32, #tpu.memory_space<vmem>>) semaphore(%dma_start3A_182 : memref<!tpu.dma_semaphore, #tpu.memory_space<semaphore_mem>>)
    %mul3A_183 = arith.constant 5 : i32
    %mul3A_184 = arith.muli %mul3A_104, %mul3A_183 : i32
    %add3A_185 = arith.constant 64 : i32
    %add3A_186 = arith.addi %mul3A_184, %add3A_185 : i32
    %dma_start3A_187 = arith.constant 4 : i32
    %dma_start3A_188 = arith.constant 0 : i32
    %dma_start3A_189 = tpu.memref_slice %arg13[%add3A_186, %dma_start3A_188] : memref<480x128xf32, #tpu.memory_space<vmem>> -> memref<16x128xf32, #tpu.memory_space<vmem>>
    %dma_start3A_190 = arith.constant 16 : i32
    %dma_start3A_191 = tpu.memref_slice %arg10[%dma_start3A_187, %dma_start3A_190] : memref<5x512xi32, #tpu.memory_space<vmem>> -> memref<1x16xi32, #tpu.memory_space<vmem>>
    %dma_start3A_192 = tpu.memref_squeeze %dma_start3A_191 : memref<1x16xi32, #tpu.memory_space<vmem>> -> memref<16xi32, #tpu.memory_space<vmem>>
    %dma_start3A_193 = arith.constant 0 : i32
    %dma_start3A_194 = arith.constant 0 : i32
    %dma_start3A_195 = tpu.memref_slice %arg6[%dma_start3A_193, %dma_start3A_194] : memref<100000x128xf32, #tpu.memory_space<hbm>> -> memref<100000x128xf32, #tpu.memory_space<hbm>>
    %dma_start3A_196 = tpu.memref_slice %arg15[%rem3A_102] : memref<6x!tpu.dma_semaphore, #tpu.memory_space<semaphore_mem>> -> memref<1x!tpu.dma_semaphore, #tpu.memory_space<semaphore_mem>>
    %dma_start3A_197 = tpu.memref_squeeze %dma_start3A_196 : memref<1x!tpu.dma_semaphore, #tpu.memory_space<semaphore_mem>> -> memref<!tpu.dma_semaphore, #tpu.memory_space<semaphore_mem>>
    tpu.enqueue_indirect_dma source(%dma_start3A_195 : memref<100000x128xf32, #tpu.memory_space<hbm>>) target(%dma_start3A_189 : memref<16x128xf32, #tpu.memory_space<vmem>>) offsets(%dma_start3A_192 : memref<16xi32, #tpu.memory_space<vmem>>) semaphore(%dma_start3A_197 : memref<!tpu.dma_semaphore, #tpu.memory_space<semaphore_mem>>)
    %rem3A_198 = arith.constant 2 : i32
    %rem3A_199 = arith.constant 6 : i32
    %rem3A_200 = arith.remsi %rem3A_198, %rem3A_199 : i32
    %mul3A_201 = arith.constant 16 : i32
    %mul3A_202 = arith.muli %rem3A_200, %mul3A_201 : i32
    %dma_start3A_203 = arith.constant 0 : i32
    %dma_start3A_204 = tpu.memref_slice %arg11[%mul3A_202, %dma_start3A_203] : memref<96x128xf32, #tpu.memory_space<vmem>> -> memref<16x128xf32, #tpu.memory_space<vmem>>
    %dma_start3A_205 = arith.constant 32 : i32
    %dma_start3A_206 = tpu.memref_slice %arg8[%dma_start3A_205] : memref<512xi32, #tpu.memory_space<vmem>> -> memref<16xi32, #tpu.memory_space<vmem>>
    %dma_start3A_207 = arith.constant 0 : i32
    %dma_start3A_208 = arith.constant 0 : i32
    %dma_start3A_209 = tpu.memref_slice %arg5[%dma_start3A_207, %dma_start3A_208] : memref<100000x128xf32, #tpu.memory_space<hbm>> -> memref<100000x128xf32, #tpu.memory_space<hbm>>
    %dma_start3A_210 = tpu.memref_slice %arg15[%rem3A_200] : memref<6x!tpu.dma_semaphore, #tpu.memory_space<semaphore_mem>> -> memref<1x!tpu.dma_semaphore, #tpu.memory_space<semaphore_mem>>
    %dma_start3A_211 = tpu.memref_squeeze %dma_start3A_210 : memref<1x!tpu.dma_semaphore, #tpu.memory_space<semaphore_mem>> -> memref<!tpu.dma_semaphore, #tpu.memory_space<semaphore_mem>>
    tpu.enqueue_indirect_dma source(%dma_start3A_209 : memref<100000x128xf32, #tpu.memory_space<hbm>>) target(%dma_start3A_204 : memref<16x128xf32, #tpu.memory_space<vmem>>) offsets(%dma_start3A_206 : memref<16xi32, #tpu.memory_space<vmem>>) semaphore(%dma_start3A_211 : memref<!tpu.dma_semaphore, #tpu.memory_space<semaphore_mem>>)
    %dma_start3A_212 = arith.constant 0 : i32
    %dma_start3A_213 = tpu.memref_slice %arg12[%mul3A_202, %dma_start3A_212] : memref<96x128xf32, #tpu.memory_space<vmem>> -> memref<16x128xf32, #tpu.memory_space<vmem>>
    %dma_start3A_214 = arith.constant 32 : i32
    %dma_start3A_215 = tpu.memref_slice %arg9[%dma_start3A_214] : memref<512xi32, #tpu.memory_space<vmem>> -> memref<16xi32, #tpu.memory_space<vmem>>
    %dma_start3A_216 = arith.constant 0 : i32
    %dma_start3A_217 = arith.constant 0 : i32
    %dma_start3A_218 = tpu.memref_slice %arg6[%dma_start3A_216, %dma_start3A_217] : memref<100000x128xf32, #tpu.memory_space<hbm>> -> memref<100000x128xf32, #tpu.memory_space<hbm>>
    %dma_start3A_219 = tpu.memref_slice %arg15[%rem3A_200] : memref<6x!tpu.dma_semaphore, #tpu.memory_space<semaphore_mem>> -> memref<1x!tpu.dma_semaphore, #tpu.memory_space<semaphore_mem>>
    %dma_start3A_220 = tpu.memref_squeeze %dma_start3A_219 : memref<1x!tpu.dma_semaphore, #tpu.memory_space<semaphore_mem>> -> memref<!tpu.dma_semaphore, #tpu.memory_space<semaphore_mem>>
    tpu.enqueue_indirect_dma source(%dma_start3A_218 : memref<100000x128xf32, #tpu.memory_space<hbm>>) target(%dma_start3A_213 : memref<16x128xf32, #tpu.memory_space<vmem>>) offsets(%dma_start3A_215 : memref<16xi32, #tpu.memory_space<vmem>>) semaphore(%dma_start3A_220 : memref<!tpu.dma_semaphore, #tpu.memory_space<semaphore_mem>>)
    %mul3A_221 = arith.constant 5 : i32
    %mul3A_222 = arith.muli %mul3A_202, %mul3A_221 : i32
    %add3A_223 = arith.constant 0 : i32
    %add3A_224 = arith.addi %mul3A_222, %add3A_223 : i32
    %dma_start3A_225 = arith.constant 0 : i32
    %dma_start3A_226 = arith.constant 0 : i32
    %dma_start3A_227 = tpu.memref_slice %arg13[%add3A_224, %dma_start3A_226] : memref<480x128xf32, #tpu.memory_space<vmem>> -> memref<16x128xf32, #tpu.memory_space<vmem>>
    %dma_start3A_228 = arith.constant 32 : i32
    %dma_start3A_229 = tpu.memref_slice %arg10[%dma_start3A_225, %dma_start3A_228] : memref<5x512xi32, #tpu.memory_space<vmem>> -> memref<1x16xi32, #tpu.memory_space<vmem>>
    %dma_start3A_230 = tpu.memref_squeeze %dma_start3A_229 : memref<1x16xi32, #tpu.memory_space<vmem>> -> memref<16xi32, #tpu.memory_space<vmem>>
    %dma_start3A_231 = arith.constant 0 : i32
    %dma_start3A_232 = arith.constant 0 : i32
    %dma_start3A_233 = tpu.memref_slice %arg6[%dma_start3A_231, %dma_start3A_232] : memref<100000x128xf32, #tpu.memory_space<hbm>> -> memref<100000x128xf32, #tpu.memory_space<hbm>>
    %dma_start3A_234 = tpu.memref_slice %arg15[%rem3A_200] : memref<6x!tpu.dma_semaphore, #tpu.memory_space<semaphore_mem>> -> memref<1x!tpu.dma_semaphore, #tpu.memory_space<semaphore_mem>>
    %dma_start3A_235 = tpu.memref_squeeze %dma_start3A_234 : memref<1x!tpu.dma_semaphore, #tpu.memory_space<semaphore_mem>> -> memref<!tpu.dma_semaphore, #tpu.memory_space<semaphore_mem>>
    tpu.enqueue_indirect_dma source(%dma_start3A_233 : memref<100000x128xf32, #tpu.memory_space<hbm>>) target(%dma_start3A_227 : memref<16x128xf32, #tpu.memory_space<vmem>>) offsets(%dma_start3A_230 : memref<16xi32, #tpu.memory_space<vmem>>) semaphore(%dma_start3A_235 : memref<!tpu.dma_semaphore, #tpu.memory_space<semaphore_mem>>)
    %mul3A_236 = arith.constant 5 : i32
    %mul3A_237 = arith.muli %mul3A_202, %mul3A_236 : i32
    %add3A_238 = arith.constant 16 : i32
    %add3A_239 = arith.addi %mul3A_237, %add3A_238 : i32
    %dma_start3A_240 = arith.constant 1 : i32
    %dma_start3A_241 = arith.constant 0 : i32
    %dma_start3A_242 = tpu.memref_slice %arg13[%add3A_239, %dma_start3A_241] : memref<480x128xf32, #tpu.memory_space<vmem>> -> memref<16x128xf32, #tpu.memory_space<vmem>>
    %dma_start3A_243 = arith.constant 32 : i32
    %dma_start3A_244 = tpu.memref_slice %arg10[%dma_start3A_240, %dma_start3A_243] : memref<5x512xi32, #tpu.memory_space<vmem>> -> memref<1x16xi32, #tpu.memory_space<vmem>>
    %dma_start3A_245 = tpu.memref_squeeze %dma_start3A_244 : memref<1x16xi32, #tpu.memory_space<vmem>> -> memref<16xi32, #tpu.memory_space<vmem>>
    %dma_start3A_246 = arith.constant 0 : i32
    %dma_start3A_247 = arith.constant 0 : i32
    %dma_start3A_248 = tpu.memref_slice %arg6[%dma_start3A_246, %dma_start3A_247] : memref<100000x128xf32, #tpu.memory_space<hbm>> -> memref<100000x128xf32, #tpu.memory_space<hbm>>
    %dma_start3A_249 = tpu.memref_slice %arg15[%rem3A_200] : memref<6x!tpu.dma_semaphore, #tpu.memory_space<semaphore_mem>> -> memref<1x!tpu.dma_semaphore, #tpu.memory_space<semaphore_mem>>
    %dma_start3A_250 = tpu.memref_squeeze %dma_start3A_249 : memref<1x!tpu.dma_semaphore, #tpu.memory_space<semaphore_mem>> -> memref<!tpu.dma_semaphore, #tpu.memory_space<semaphore_mem>>
    tpu.enqueue_indirect_dma source(%dma_start3A_248 : memref<100000x128xf32, #tpu.memory_space<hbm>>) target(%dma_start3A_242 : memref<16x128xf32, #tpu.memory_space<vmem>>) offsets(%dma_start3A_245 : memref<16xi32, #tpu.memory_space<vmem>>) semaphore(%dma_start3A_250 : memref<!tpu.dma_semaphore, #tpu.memory_space<semaphore_mem>>)
    %mul3A_251 = arith.constant 5 : i32
    %mul3A_252 = arith.muli %mul3A_202, %mul3A_251 : i32
    %add3A_253 = arith.constant 32 : i32
    %add3A_254 = arith.addi %mul3A_252, %add3A_253 : i32
    %dma_start3A_255 = arith.constant 2 : i32
    %dma_start3A_256 = arith.constant 0 : i32
    %dma_start3A_257 = tpu.memref_slice %arg13[%add3A_254, %dma_start3A_256] : memref<480x128xf32, #tpu.memory_space<vmem>> -> memref<16x128xf32, #tpu.memory_space<vmem>>
    %dma_start3A_258 = arith.constant 32 : i32
    %dma_start3A_259 = tpu.memref_slice %arg10[%dma_start3A_255, %dma_start3A_258] : memref<5x512xi32, #tpu.memory_space<vmem>> -> memref<1x16xi32, #tpu.memory_space<vmem>>
    %dma_start3A_260 = tpu.memref_squeeze %dma_start3A_259 : memref<1x16xi32, #tpu.memory_space<vmem>> -> memref<16xi32, #tpu.memory_space<vmem>>
    %dma_start3A_261 = arith.constant 0 : i32
    %dma_start3A_262 = arith.constant 0 : i32
    %dma_start3A_263 = tpu.memref_slice %arg6[%dma_start3A_261, %dma_start3A_262] : memref<100000x128xf32, #tpu.memory_space<hbm>> -> memref<100000x128xf32, #tpu.memory_space<hbm>>
    %dma_start3A_264 = tpu.memref_slice %arg15[%rem3A_200] : memref<6x!tpu.dma_semaphore, #tpu.memory_space<semaphore_mem>> -> memref<1x!tpu.dma_semaphore, #tpu.memory_space<semaphore_mem>>
    %dma_start3A_265 = tpu.memref_squeeze %dma_start3A_264 : memref<1x!tpu.dma_semaphore, #tpu.memory_space<semaphore_mem>> -> memref<!tpu.dma_semaphore, #tpu.memory_space<semaphore_mem>>
    tpu.enqueue_indirect_dma source(%dma_start3A_263 : memref<100000x128xf32, #tpu.memory_space<hbm>>) target(%dma_start3A_257 : memref<16x128xf32, #tpu.memory_space<vmem>>) offsets(%dma_start3A_260 : memref<16xi32, #tpu.memory_space<vmem>>) semaphore(%dma_start3A_265 : memref<!tpu.dma_semaphore, #tpu.memory_space<semaphore_mem>>)
    %mul3A_266 = arith.constant 5 : i32
    %mul3A_267 = arith.muli %mul3A_202, %mul3A_266 : i32
    %add3A_268 = arith.constant 48 : i32
    %add3A_269 = arith.addi %mul3A_267, %add3A_268 : i32
    %dma_start3A_270 = arith.constant 3 : i32
    %dma_start3A_271 = arith.constant 0 : i32
    %dma_start3A_272 = tpu.memref_slice %arg13[%add3A_269, %dma_start3A_271] : memref<480x128xf32, #tpu.memory_space<vmem>> -> memref<16x128xf32, #tpu.memory_space<vmem>>
    %dma_start3A_273 = arith.constant 32 : i32
    %dma_start3A_274 = tpu.memref_slice %arg10[%dma_start3A_270, %dma_start3A_273] : memref<5x512xi32, #tpu.memory_space<vmem>> -> memref<1x16xi32, #tpu.memory_space<vmem>>
    %dma_start3A_275 = tpu.memref_squeeze %dma_start3A_274 : memref<1x16xi32, #tpu.memory_space<vmem>> -> memref<16xi32, #tpu.memory_space<vmem>>
    %dma_start3A_276 = arith.constant 0 : i32
    %dma_start3A_277 = arith.constant 0 : i32
    %dma_start3A_278 = tpu.memref_slice %arg6[%dma_start3A_276, %dma_start3A_277] : memref<100000x128xf32, #tpu.memory_space<hbm>> -> memref<100000x128xf32, #tpu.memory_space<hbm>>
    %dma_start3A_279 = tpu.memref_slice %arg15[%rem3A_200] : memref<6x!tpu.dma_semaphore, #tpu.memory_space<semaphore_mem>> -> memref<1x!tpu.dma_semaphore, #tpu.memory_space<semaphore_mem>>
    %dma_start3A_280 = tpu.memref_squeeze %dma_start3A_279 : memref<1x!tpu.dma_semaphore, #tpu.memory_space<semaphore_mem>> -> memref<!tpu.dma_semaphore, #tpu.memory_space<semaphore_mem>>
    tpu.enqueue_indirect_dma source(%dma_start3A_278 : memref<100000x128xf32, #tpu.memory_space<hbm>>) target(%dma_start3A_272 : memref<16x128xf32, #tpu.memory_space<vmem>>) offsets(%dma_start3A_275 : memref<16xi32, #tpu.memory_space<vmem>>) semaphore(%dma_start3A_280 : memref<!tpu.dma_semaphore, #tpu.memory_space<semaphore_mem>>)
    %mul3A_281 = arith.constant 5 : i32
    %mul3A_282 = arith.muli %mul3A_202, %mul3A_281 : i32
    %add3A_283 = arith.constant 64 : i32
    %add3A_284 = arith.addi %mul3A_282, %add3A_283 : i32
    %dma_start3A_285 = arith.constant 4 : i32
    %dma_start3A_286 = arith.constant 0 : i32
    %dma_start3A_287 = tpu.memref_slice %arg13[%add3A_284, %dma_start3A_286] : memref<480x128xf32, #tpu.memory_space<vmem>> -> memref<16x128xf32, #tpu.memory_space<vmem>>
    %dma_start3A_288 = arith.constant 32 : i32
    %dma_start3A_289 = tpu.memref_slice %arg10[%dma_start3A_285, %dma_start3A_288] : memref<5x512xi32, #tpu.memory_space<vmem>> -> memref<1x16xi32, #tpu.memory_space<vmem>>
    %dma_start3A_290 = tpu.memref_squeeze %dma_start3A_289 : memref<1x16xi32, #tpu.memory_space<vmem>> -> memref<16xi32, #tpu.memory_space<vmem>>
    %dma_start3A_291 = arith.constant 0 : i32
    %dma_start3A_292 = arith.constant 0 : i32
    %dma_start3A_293 = tpu.memref_slice %arg6[%dma_start3A_291, %dma_start3A_292] : memref<100000x128xf32, #tpu.memory_space<hbm>> -> memref<100000x128xf32, #tpu.memory_space<hbm>>
    %dma_start3A_294 = tpu.memref_slice %arg15[%rem3A_200] : memref<6x!tpu.dma_semaphore, #tpu.memory_space<semaphore_mem>> -> memref<1x!tpu.dma_semaphore, #tpu.memory_space<semaphore_mem>>
    %dma_start3A_295 = tpu.memref_squeeze %dma_start3A_294 : memref<1x!tpu.dma_semaphore, #tpu.memory_space<semaphore_mem>> -> memref<!tpu.dma_semaphore, #tpu.memory_space<semaphore_mem>>
    tpu.enqueue_indirect_dma source(%dma_start3A_293 : memref<100000x128xf32, #tpu.memory_space<hbm>>) target(%dma_start3A_287 : memref<16x128xf32, #tpu.memory_space<vmem>>) offsets(%dma_start3A_290 : memref<16xi32, #tpu.memory_space<vmem>>) semaphore(%dma_start3A_295 : memref<!tpu.dma_semaphore, #tpu.memory_space<semaphore_mem>>)
    %rem3A_296 = arith.constant 3 : i32
    %rem3A_297 = arith.constant 6 : i32
    %rem3A_298 = arith.remsi %rem3A_296, %rem3A_297 : i32
    %mul3A_299 = arith.constant 16 : i32
    %mul3A_300 = arith.muli %rem3A_298, %mul3A_299 : i32
    %dma_start3A_301 = arith.constant 0 : i32
    %dma_start3A_302 = tpu.memref_slice %arg11[%mul3A_300, %dma_start3A_301] : memref<96x128xf32, #tpu.memory_space<vmem>> -> memref<16x128xf32, #tpu.memory_space<vmem>>
    %dma_start3A_303 = arith.constant 48 : i32
    %dma_start3A_304 = tpu.memref_slice %arg8[%dma_start3A_303] : memref<512xi32, #tpu.memory_space<vmem>> -> memref<16xi32, #tpu.memory_space<vmem>>
    %dma_start3A_305 = arith.constant 0 : i32
    %dma_start3A_306 = arith.constant 0 : i32
    %dma_start3A_307 = tpu.memref_slice %arg5[%dma_start3A_305, %dma_start3A_306] : memref<100000x128xf32, #tpu.memory_space<hbm>> -> memref<100000x128xf32, #tpu.memory_space<hbm>>
    %dma_start3A_308 = tpu.memref_slice %arg15[%rem3A_298] : memref<6x!tpu.dma_semaphore, #tpu.memory_space<semaphore_mem>> -> memref<1x!tpu.dma_semaphore, #tpu.memory_space<semaphore_mem>>
    %dma_start3A_309 = tpu.memref_squeeze %dma_start3A_308 : memref<1x!tpu.dma_semaphore, #tpu.memory_space<semaphore_mem>> -> memref<!tpu.dma_semaphore, #tpu.memory_space<semaphore_mem>>
    tpu.enqueue_indirect_dma source(%dma_start3A_307 : memref<100000x128xf32, #tpu.memory_space<hbm>>) target(%dma_start3A_302 : memref<16x128xf32, #tpu.memory_space<vmem>>) offsets(%dma_start3A_304 : memref<16xi32, #tpu.memory_space<vmem>>) semaphore(%dma_start3A_309 : memref<!tpu.dma_semaphore, #tpu.memory_space<semaphore_mem>>)
    %dma_start3A_310 = arith.constant 0 : i32
    %dma_start3A_311 = tpu.memref_slice %arg12[%mul3A_300, %dma_start3A_310] : memref<96x128xf32, #tpu.memory_space<vmem>> -> memref<16x128xf32, #tpu.memory_space<vmem>>
    %dma_start3A_312 = arith.constant 48 : i32
    %dma_start3A_313 = tpu.memref_slice %arg9[%dma_start3A_312] : memref<512xi32, #tpu.memory_space<vmem>> -> memref<16xi32, #tpu.memory_space<vmem>>
    %dma_start3A_314 = arith.constant 0 : i32
    %dma_start3A_315 = arith.constant 0 : i32
    %dma_start3A_316 = tpu.memref_slice %arg6[%dma_start3A_314, %dma_start3A_315] : memref<100000x128xf32, #tpu.memory_space<hbm>> -> memref<100000x128xf32, #tpu.memory_space<hbm>>
    %dma_start3A_317 = tpu.memref_slice %arg15[%rem3A_298] : memref<6x!tpu.dma_semaphore, #tpu.memory_space<semaphore_mem>> -> memref<1x!tpu.dma_semaphore, #tpu.memory_space<semaphore_mem>>
    %dma_start3A_318 = tpu.memref_squeeze %dma_start3A_317 : memref<1x!tpu.dma_semaphore, #tpu.memory_space<semaphore_mem>> -> memref<!tpu.dma_semaphore, #tpu.memory_space<semaphore_mem>>
    tpu.enqueue_indirect_dma source(%dma_start3A_316 : memref<100000x128xf32, #tpu.memory_space<hbm>>) target(%dma_start3A_311 : memref<16x128xf32, #tpu.memory_space<vmem>>) offsets(%dma_start3A_313 : memref<16xi32, #tpu.memory_space<vmem>>) semaphore(%dma_start3A_318 : memref<!tpu.dma_semaphore, #tpu.memory_space<semaphore_mem>>)
    %mul3A_319 = arith.constant 5 : i32
    %mul3A_320 = arith.muli %mul3A_300, %mul3A_319 : i32
    %add3A_321 = arith.constant 0 : i32
    %add3A_322 = arith.addi %mul3A_320, %add3A_321 : i32
    %dma_start3A_323 = arith.constant 0 : i32
    %dma_start3A_324 = arith.constant 0 : i32
    %dma_start3A_325 = tpu.memref_slice %arg13[%add3A_322, %dma_start3A_324] : memref<480x128xf32, #tpu.memory_space<vmem>> -> memref<16x128xf32, #tpu.memory_space<vmem>>
    %dma_start3A_326 = arith.constant 48 : i32
    %dma_start3A_327 = tpu.memref_slice %arg10[%dma_start3A_323, %dma_start3A_326] : memref<5x512xi32, #tpu.memory_space<vmem>> -> memref<1x16xi32, #tpu.memory_space<vmem>>
    %dma_start3A_328 = tpu.memref_squeeze %dma_start3A_327 : memref<1x16xi32, #tpu.memory_space<vmem>> -> memref<16xi32, #tpu.memory_space<vmem>>
    %dma_start3A_329 = arith.constant 0 : i32
    %dma_start3A_330 = arith.constant 0 : i32
    %dma_start3A_331 = tpu.memref_slice %arg6[%dma_start3A_329, %dma_start3A_330] : memref<100000x128xf32, #tpu.memory_space<hbm>> -> memref<100000x128xf32, #tpu.memory_space<hbm>>
    %dma_start3A_332 = tpu.memref_slice %arg15[%rem3A_298] : memref<6x!tpu.dma_semaphore, #tpu.memory_space<semaphore_mem>> -> memref<1x!tpu.dma_semaphore, #tpu.memory_space<semaphore_mem>>
    %dma_start3A_333 = tpu.memref_squeeze %dma_start3A_332 : memref<1x!tpu.dma_semaphore, #tpu.memory_space<semaphore_mem>> -> memref<!tpu.dma_semaphore, #tpu.memory_space<semaphore_mem>>
    tpu.enqueue_indirect_dma source(%dma_start3A_331 : memref<100000x128xf32, #tpu.memory_space<hbm>>) target(%dma_start3A_325 : memref<16x128xf32, #tpu.memory_space<vmem>>) offsets(%dma_start3A_328 : memref<16xi32, #tpu.memory_space<vmem>>) semaphore(%dma_start3A_333 : memref<!tpu.dma_semaphore, #tpu.memory_space<semaphore_mem>>)
    %mul3A_334 = arith.constant 5 : i32
    %mul3A_335 = arith.muli %mul3A_300, %mul3A_334 : i32
    %add3A_336 = arith.constant 16 : i32
    %add3A_337 = arith.addi %mul3A_335, %add3A_336 : i32
    %dma_start3A_338 = arith.constant 1 : i32
    %dma_start3A_339 = arith.constant 0 : i32
    %dma_start3A_340 = tpu.memref_slice %arg13[%add3A_337, %dma_start3A_339] : memref<480x128xf32, #tpu.memory_space<vmem>> -> memref<16x128xf32, #tpu.memory_space<vmem>>
    %dma_start3A_341 = arith.constant 48 : i32
    %dma_start3A_342 = tpu.memref_slice %arg10[%dma_start3A_338, %dma_start3A_341] : memref<5x512xi32, #tpu.memory_space<vmem>> -> memref<1x16xi32, #tpu.memory_space<vmem>>
    %dma_start3A_343 = tpu.memref_squeeze %dma_start3A_342 : memref<1x16xi32, #tpu.memory_space<vmem>> -> memref<16xi32, #tpu.memory_space<vmem>>
    %dma_start3A_344 = arith.constant 0 : i32
    %dma_start3A_345 = arith.constant 0 : i32
    %dma_start3A_346 = tpu.memref_slice %arg6[%dma_start3A_344, %dma_start3A_345] : memref<100000x128xf32, #tpu.memory_space<hbm>> -> memref<100000x128xf32, #tpu.memory_space<hbm>>
    %dma_start3A_347 = tpu.memref_slice %arg15[%rem3A_298] : memref<6x!tpu.dma_semaphore, #tpu.memory_space<semaphore_mem>> -> memref<1x!tpu.dma_semaphore, #tpu.memory_space<semaphore_mem>>
    %dma_start3A_348 = tpu.memref_squeeze %dma_start3A_347 : memref<1x!tpu.dma_semaphore, #tpu.memory_space<semaphore_mem>> -> memref<!tpu.dma_semaphore, #tpu.memory_space<semaphore_mem>>
    tpu.enqueue_indirect_dma source(%dma_start3A_346 : memref<100000x128xf32, #tpu.memory_space<hbm>>) target(%dma_start3A_340 : memref<16x128xf32, #tpu.memory_space<vmem>>) offsets(%dma_start3A_343 : memref<16xi32, #tpu.memory_space<vmem>>) semaphore(%dma_start3A_348 : memref<!tpu.dma_semaphore, #tpu.memory_space<semaphore_mem>>)
    %mul3A_349 = arith.constant 5 : i32
    %mul3A_350 = arith.muli %mul3A_300, %mul3A_349 : i32
    %add3A_351 = arith.constant 32 : i32
    %add3A_352 = arith.addi %mul3A_350, %add3A_351 : i32
    %dma_start3A_353 = arith.constant 2 : i32
    %dma_start3A_354 = arith.constant 0 : i32
    %dma_start3A_355 = tpu.memref_slice %arg13[%add3A_352, %dma_start3A_354] : memref<480x128xf32, #tpu.memory_space<vmem>> -> memref<16x128xf32, #tpu.memory_space<vmem>>
    %dma_start3A_356 = arith.constant 48 : i32
    %dma_start3A_357 = tpu.memref_slice %arg10[%dma_start3A_353, %dma_start3A_356] : memref<5x512xi32, #tpu.memory_space<vmem>> -> memref<1x16xi32, #tpu.memory_space<vmem>>
    %dma_start3A_358 = tpu.memref_squeeze %dma_start3A_357 : memref<1x16xi32, #tpu.memory_space<vmem>> -> memref<16xi32, #tpu.memory_space<vmem>>
    %dma_start3A_359 = arith.constant 0 : i32
    %dma_start3A_360 = arith.constant 0 : i32
    %dma_start3A_361 = tpu.memref_slice %arg6[%dma_start3A_359, %dma_start3A_360] : memref<100000x128xf32, #tpu.memory_space<hbm>> -> memref<100000x128xf32, #tpu.memory_space<hbm>>
    %dma_start3A_362 = tpu.memref_slice %arg15[%rem3A_298] : memref<6x!tpu.dma_semaphore, #tpu.memory_space<semaphore_mem>> -> memref<1x!tpu.dma_semaphore, #tpu.memory_space<semaphore_mem>>
    %dma_start3A_363 = tpu.memref_squeeze %dma_start3A_362 : memref<1x!tpu.dma_semaphore, #tpu.memory_space<semaphore_mem>> -> memref<!tpu.dma_semaphore, #tpu.memory_space<semaphore_mem>>
    tpu.enqueue_indirect_dma source(%dma_start3A_361 : memref<100000x128xf32, #tpu.memory_space<hbm>>) target(%dma_start3A_355 : memref<16x128xf32, #tpu.memory_space<vmem>>) offsets(%dma_start3A_358 : memref<16xi32, #tpu.memory_space<vmem>>) semaphore(%dma_start3A_363 : memref<!tpu.dma_semaphore, #tpu.memory_space<semaphore_mem>>)
    %mul3A_364 = arith.constant 5 : i32
    %mul3A_365 = arith.muli %mul3A_300, %mul3A_364 : i32
    %add3A_366 = arith.constant 48 : i32
    %add3A_367 = arith.addi %mul3A_365, %add3A_366 : i32
    %dma_start3A_368 = arith.constant 3 : i32
    %dma_start3A_369 = arith.constant 0 : i32
    %dma_start3A_370 = tpu.memref_slice %arg13[%add3A_367, %dma_start3A_369] : memref<480x128xf32, #tpu.memory_space<vmem>> -> memref<16x128xf32, #tpu.memory_space<vmem>>
    %dma_start3A_371 = arith.constant 48 : i32
    %dma_start3A_372 = tpu.memref_slice %arg10[%dma_start3A_368, %dma_start3A_371] : memref<5x512xi32, #tpu.memory_space<vmem>> -> memref<1x16xi32, #tpu.memory_space<vmem>>
    %dma_start3A_373 = tpu.memref_squeeze %dma_start3A_372 : memref<1x16xi32, #tpu.memory_space<vmem>> -> memref<16xi32, #tpu.memory_space<vmem>>
    %dma_start3A_374 = arith.constant 0 : i32
    %dma_start3A_375 = arith.constant 0 : i32
    %dma_start3A_376 = tpu.memref_slice %arg6[%dma_start3A_374, %dma_start3A_375] : memref<100000x128xf32, #tpu.memory_space<hbm>> -> memref<100000x128xf32, #tpu.memory_space<hbm>>
    %dma_start3A_377 = tpu.memref_slice %arg15[%rem3A_298] : memref<6x!tpu.dma_semaphore, #tpu.memory_space<semaphore_mem>> -> memref<1x!tpu.dma_semaphore, #tpu.memory_space<semaphore_mem>>
    %dma_start3A_378 = tpu.memref_squeeze %dma_start3A_377 : memref<1x!tpu.dma_semaphore, #tpu.memory_space<semaphore_mem>> -> memref<!tpu.dma_semaphore, #tpu.memory_space<semaphore_mem>>
    tpu.enqueue_indirect_dma source(%dma_start3A_376 : memref<100000x128xf32, #tpu.memory_space<hbm>>) target(%dma_start3A_370 : memref<16x128xf32, #tpu.memory_space<vmem>>) offsets(%dma_start3A_373 : memref<16xi32, #tpu.memory_space<vmem>>) semaphore(%dma_start3A_378 : memref<!tpu.dma_semaphore, #tpu.memory_space<semaphore_mem>>)
    %mul3A_379 = arith.constant 5 : i32
    %mul3A_380 = arith.muli %mul3A_300, %mul3A_379 : i32
    %add3A_381 = arith.constant 64 : i32
    %add3A_382 = arith.addi %mul3A_380, %add3A_381 : i32
    %dma_start3A_383 = arith.constant 4 : i32
    %dma_start3A_384 = arith.constant 0 : i32
    %dma_start3A_385 = tpu.memref_slice %arg13[%add3A_382, %dma_start3A_384] : memref<480x128xf32, #tpu.memory_space<vmem>> -> memref<16x128xf32, #tpu.memory_space<vmem>>
    %dma_start3A_386 = arith.constant 48 : i32
    %dma_start3A_387 = tpu.memref_slice %arg10[%dma_start3A_383, %dma_start3A_386] : memref<5x512xi32, #tpu.memory_space<vmem>> -> memref<1x16xi32, #tpu.memory_space<vmem>>
    %dma_start3A_388 = tpu.memref_squeeze %dma_start3A_387 : memref<1x16xi32, #tpu.memory_space<vmem>> -> memref<16xi32, #tpu.memory_space<vmem>>
    %dma_start3A_389 = arith.constant 0 : i32
    %dma_start3A_390 = arith.constant 0 : i32
    %dma_start3A_391 = tpu.memref_slice %arg6[%dma_start3A_389, %dma_start3A_390] : memref<100000x128xf32, #tpu.memory_space<hbm>> -> memref<100000x128xf32, #tpu.memory_space<hbm>>
    %dma_start3A_392 = tpu.memref_slice %arg15[%rem3A_298] : memref<6x!tpu.dma_semaphore, #tpu.memory_space<semaphore_mem>> -> memref<1x!tpu.dma_semaphore, #tpu.memory_space<semaphore_mem>>
    %dma_start3A_393 = tpu.memref_squeeze %dma_start3A_392 : memref<1x!tpu.dma_semaphore, #tpu.memory_space<semaphore_mem>> -> memref<!tpu.dma_semaphore, #tpu.memory_space<semaphore_mem>>
    tpu.enqueue_indirect_dma source(%dma_start3A_391 : memref<100000x128xf32, #tpu.memory_space<hbm>>) target(%dma_start3A_385 : memref<16x128xf32, #tpu.memory_space<vmem>>) offsets(%dma_start3A_388 : memref<16xi32, #tpu.memory_space<vmem>>) semaphore(%dma_start3A_393 : memref<!tpu.dma_semaphore, #tpu.memory_space<semaphore_mem>>)
    %rem3A_394 = arith.constant 4 : i32
    %rem3A_395 = arith.constant 6 : i32
    %rem3A_396 = arith.remsi %rem3A_394, %rem3A_395 : i32
    %mul3A_397 = arith.constant 16 : i32
    %mul3A_398 = arith.muli %rem3A_396, %mul3A_397 : i32
    %dma_start3A_399 = arith.constant 0 : i32
    %dma_start3A_400 = tpu.memref_slice %arg11[%mul3A_398, %dma_start3A_399] : memref<96x128xf32, #tpu.memory_space<vmem>> -> memref<16x128xf32, #tpu.memory_space<vmem>>
    %dma_start3A_401 = arith.constant 64 : i32
    %dma_start3A_402 = tpu.memref_slice %arg8[%dma_start3A_401] : memref<512xi32, #tpu.memory_space<vmem>> -> memref<16xi32, #tpu.memory_space<vmem>>
    %dma_start3A_403 = arith.constant 0 : i32
    %dma_start3A_404 = arith.constant 0 : i32
    %dma_start3A_405 = tpu.memref_slice %arg5[%dma_start3A_403, %dma_start3A_404] : memref<100000x128xf32, #tpu.memory_space<hbm>> -> memref<100000x128xf32, #tpu.memory_space<hbm>>
    %dma_start3A_406 = tpu.memref_slice %arg15[%rem3A_396] : memref<6x!tpu.dma_semaphore, #tpu.memory_space<semaphore_mem>> -> memref<1x!tpu.dma_semaphore, #tpu.memory_space<semaphore_mem>>
    %dma_start3A_407 = tpu.memref_squeeze %dma_start3A_406 : memref<1x!tpu.dma_semaphore, #tpu.memory_space<semaphore_mem>> -> memref<!tpu.dma_semaphore, #tpu.memory_space<semaphore_mem>>
    tpu.enqueue_indirect_dma source(%dma_start3A_405 : memref<100000x128xf32, #tpu.memory_space<hbm>>) target(%dma_start3A_400 : memref<16x128xf32, #tpu.memory_space<vmem>>) offsets(%dma_start3A_402 : memref<16xi32, #tpu.memory_space<vmem>>) semaphore(%dma_start3A_407 : memref<!tpu.dma_semaphore, #tpu.memory_space<semaphore_mem>>)
    %dma_start3A_408 = arith.constant 0 : i32
    %dma_start3A_409 = tpu.memref_slice %arg12[%mul3A_398, %dma_start3A_408] : memref<96x128xf32, #tpu.memory_space<vmem>> -> memref<16x128xf32, #tpu.memory_space<vmem>>
    %dma_start3A_410 = arith.constant 64 : i32
    %dma_start3A_411 = tpu.memref_slice %arg9[%dma_start3A_410] : memref<512xi32, #tpu.memory_space<vmem>> -> memref<16xi32, #tpu.memory_space<vmem>>
    %dma_start3A_412 = arith.constant 0 : i32
    %dma_start3A_413 = arith.constant 0 : i32
    %dma_start3A_414 = tpu.memref_slice %arg6[%dma_start3A_412, %dma_start3A_413] : memref<100000x128xf32, #tpu.memory_space<hbm>> -> memref<100000x128xf32, #tpu.memory_space<hbm>>
    %dma_start3A_415 = tpu.memref_slice %arg15[%rem3A_396] : memref<6x!tpu.dma_semaphore, #tpu.memory_space<semaphore_mem>> -> memref<1x!tpu.dma_semaphore, #tpu.memory_space<semaphore_mem>>
    %dma_start3A_416 = tpu.memref_squeeze %dma_start3A_415 : memref<1x!tpu.dma_semaphore, #tpu.memory_space<semaphore_mem>> -> memref<!tpu.dma_semaphore, #tpu.memory_space<semaphore_mem>>
    tpu.enqueue_indirect_dma source(%dma_start3A_414 : memref<100000x128xf32, #tpu.memory_space<hbm>>) target(%dma_start3A_409 : memref<16x128xf32, #tpu.memory_space<vmem>>) offsets(%dma_start3A_411 : memref<16xi32, #tpu.memory_space<vmem>>) semaphore(%dma_start3A_416 : memref<!tpu.dma_semaphore, #tpu.memory_space<semaphore_mem>>)
    %mul3A_417 = arith.constant 5 : i32
    %mul3A_418 = arith.muli %mul3A_398, %mul3A_417 : i32
    %add3A_419 = arith.constant 0 : i32
    %add3A_420 = arith.addi %mul3A_418, %add3A_419 : i32
    %dma_start3A_421 = arith.constant 0 : i32
    %dma_start3A_422 = arith.constant 0 : i32
    %dma_start3A_423 = tpu.memref_slice %arg13[%add3A_420, %dma_start3A_422] : memref<480x128xf32, #tpu.memory_space<vmem>> -> memref<16x128xf32, #tpu.memory_space<vmem>>
    %dma_start3A_424 = arith.constant 64 : i32
    %dma_start3A_425 = tpu.memref_slice %arg10[%dma_start3A_421, %dma_start3A_424] : memref<5x512xi32, #tpu.memory_space<vmem>> -> memref<1x16xi32, #tpu.memory_space<vmem>>
    %dma_start3A_426 = tpu.memref_squeeze %dma_start3A_425 : memref<1x16xi32, #tpu.memory_space<vmem>> -> memref<16xi32, #tpu.memory_space<vmem>>
    %dma_start3A_427 = arith.constant 0 : i32
    %dma_start3A_428 = arith.constant 0 : i32
    %dma_start3A_429 = tpu.memref_slice %arg6[%dma_start3A_427, %dma_start3A_428] : memref<100000x128xf32, #tpu.memory_space<hbm>> -> memref<100000x128xf32, #tpu.memory_space<hbm>>
    %dma_start3A_430 = tpu.memref_slice %arg15[%rem3A_396] : memref<6x!tpu.dma_semaphore, #tpu.memory_space<semaphore_mem>> -> memref<1x!tpu.dma_semaphore, #tpu.memory_space<semaphore_mem>>
    %dma_start3A_431 = tpu.memref_squeeze %dma_start3A_430 : memref<1x!tpu.dma_semaphore, #tpu.memory_space<semaphore_mem>> -> memref<!tpu.dma_semaphore, #tpu.memory_space<semaphore_mem>>
    tpu.enqueue_indirect_dma source(%dma_start3A_429 : memref<100000x128xf32, #tpu.memory_space<hbm>>) target(%dma_start3A_423 : memref<16x128xf32, #tpu.memory_space<vmem>>) offsets(%dma_start3A_426 : memref<16xi32, #tpu.memory_space<vmem>>) semaphore(%dma_start3A_431 : memref<!tpu.dma_semaphore, #tpu.memory_space<semaphore_mem>>)
    %mul3A_432 = arith.constant 5 : i32
    %mul3A_433 = arith.muli %mul3A_398, %mul3A_432 : i32
    %add3A_434 = arith.constant 16 : i32
    %add3A_435 = arith.addi %mul3A_433, %add3A_434 : i32
    %dma_start3A_436 = arith.constant 1 : i32
    %dma_start3A_437 = arith.constant 0 : i32
    %dma_start3A_438 = tpu.memref_slice %arg13[%add3A_435, %dma_start3A_437] : memref<480x128xf32, #tpu.memory_space<vmem>> -> memref<16x128xf32, #tpu.memory_space<vmem>>
    %dma_start3A_439 = arith.constant 64 : i32
    %dma_start3A_440 = tpu.memref_slice %arg10[%dma_start3A_436, %dma_start3A_439] : memref<5x512xi32, #tpu.memory_space<vmem>> -> memref<1x16xi32, #tpu.memory_space<vmem>>
    %dma_start3A_441 = tpu.memref_squeeze %dma_start3A_440 : memref<1x16xi32, #tpu.memory_space<vmem>> -> memref<16xi32, #tpu.memory_space<vmem>>
    %dma_start3A_442 = arith.constant 0 : i32
    %dma_start3A_443 = arith.constant 0 : i32
    %dma_start3A_444 = tpu.memref_slice %arg6[%dma_start3A_442, %dma_start3A_443] : memref<100000x128xf32, #tpu.memory_space<hbm>> -> memref<100000x128xf32, #tpu.memory_space<hbm>>
    %dma_start3A_445 = tpu.memref_slice %arg15[%rem3A_396] : memref<6x!tpu.dma_semaphore, #tpu.memory_space<semaphore_mem>> -> memref<1x!tpu.dma_semaphore, #tpu.memory_space<semaphore_mem>>
    %dma_start3A_446 = tpu.memref_squeeze %dma_start3A_445 : memref<1x!tpu.dma_semaphore, #tpu.memory_space<semaphore_mem>> -> memref<!tpu.dma_semaphore, #tpu.memory_space<semaphore_mem>>
    tpu.enqueue_indirect_dma source(%dma_start3A_444 : memref<100000x128xf32, #tpu.memory_space<hbm>>) target(%dma_start3A_438 : memref<16x128xf32, #tpu.memory_space<vmem>>) offsets(%dma_start3A_441 : memref<16xi32, #tpu.memory_space<vmem>>) semaphore(%dma_start3A_446 : memref<!tpu.dma_semaphore, #tpu.memory_space<semaphore_mem>>)
    %mul3A_447 = arith.constant 5 : i32
    %mul3A_448 = arith.muli %mul3A_398, %mul3A_447 : i32
    %add3A_449 = arith.constant 32 : i32
    %add3A_450 = arith.addi %mul3A_448, %add3A_449 : i32
    %dma_start3A_451 = arith.constant 2 : i32
    %dma_start3A_452 = arith.constant 0 : i32
    %dma_start3A_453 = tpu.memref_slice %arg13[%add3A_450, %dma_start3A_452] : memref<480x128xf32, #tpu.memory_space<vmem>> -> memref<16x128xf32, #tpu.memory_space<vmem>>
    %dma_start3A_454 = arith.constant 64 : i32
    %dma_start3A_455 = tpu.memref_slice %arg10[%dma_start3A_451, %dma_start3A_454] : memref<5x512xi32, #tpu.memory_space<vmem>> -> memref<1x16xi32, #tpu.memory_space<vmem>>
    %dma_start3A_456 = tpu.memref_squeeze %dma_start3A_455 : memref<1x16xi32, #tpu.memory_space<vmem>> -> memref<16xi32, #tpu.memory_space<vmem>>
    %dma_start3A_457 = arith.constant 0 : i32
    %dma_start3A_458 = arith.constant 0 : i32
    %dma_start3A_459 = tpu.memref_slice %arg6[%dma_start3A_457, %dma_start3A_458] : memref<100000x128xf32, #tpu.memory_space<hbm>> -> memref<100000x128xf32, #tpu.memory_space<hbm>>
    %dma_start3A_460 = tpu.memref_slice %arg15[%rem3A_396] : memref<6x!tpu.dma_semaphore, #tpu.memory_space<semaphore_mem>> -> memref<1x!tpu.dma_semaphore, #tpu.memory_space<semaphore_mem>>
    %dma_start3A_461 = tpu.memref_squeeze %dma_start3A_460 : memref<1x!tpu.dma_semaphore, #tpu.memory_space<semaphore_mem>> -> memref<!tpu.dma_semaphore, #tpu.memory_space<semaphore_mem>>
    tpu.enqueue_indirect_dma source(%dma_start3A_459 : memref<100000x128xf32, #tpu.memory_space<hbm>>) target(%dma_start3A_453 : memref<16x128xf32, #tpu.memory_space<vmem>>) offsets(%dma_start3A_456 : memref<16xi32, #tpu.memory_space<vmem>>) semaphore(%dma_start3A_461 : memref<!tpu.dma_semaphore, #tpu.memory_space<semaphore_mem>>)
    %mul3A_462 = arith.constant 5 : i32
    %mul3A_463 = arith.muli %mul3A_398, %mul3A_462 : i32
    %add3A_464 = arith.constant 48 : i32
    %add3A_465 = arith.addi %mul3A_463, %add3A_464 : i32
    %dma_start3A_466 = arith.constant 3 : i32
    %dma_start3A_467 = arith.constant 0 : i32
    %dma_start3A_468 = tpu.memref_slice %arg13[%add3A_465, %dma_start3A_467] : memref<480x128xf32, #tpu.memory_space<vmem>> -> memref<16x128xf32, #tpu.memory_space<vmem>>
    %dma_start3A_469 = arith.constant 64 : i32
    %dma_start3A_470 = tpu.memref_slice %arg10[%dma_start3A_466, %dma_start3A_469] : memref<5x512xi32, #tpu.memory_space<vmem>> -> memref<1x16xi32, #tpu.memory_space<vmem>>
    %dma_start3A_471 = tpu.memref_squeeze %dma_start3A_470 : memref<1x16xi32, #tpu.memory_space<vmem>> -> memref<16xi32, #tpu.memory_space<vmem>>
    %dma_start3A_472 = arith.constant 0 : i32
    %dma_start3A_473 = arith.constant 0 : i32
    %dma_start3A_474 = tpu.memref_slice %arg6[%dma_start3A_472, %dma_start3A_473] : memref<100000x128xf32, #tpu.memory_space<hbm>> -> memref<100000x128xf32, #tpu.memory_space<hbm>>
    %dma_start3A_475 = tpu.memref_slice %arg15[%rem3A_396] : memref<6x!tpu.dma_semaphore, #tpu.memory_space<semaphore_mem>> -> memref<1x!tpu.dma_semaphore, #tpu.memory_space<semaphore_mem>>
    %dma_start3A_476 = tpu.memref_squeeze %dma_start3A_475 : memref<1x!tpu.dma_semaphore, #tpu.memory_space<semaphore_mem>> -> memref<!tpu.dma_semaphore, #tpu.memory_space<semaphore_mem>>
    tpu.enqueue_indirect_dma source(%dma_start3A_474 : memref<100000x128xf32, #tpu.memory_space<hbm>>) target(%dma_start3A_468 : memref<16x128xf32, #tpu.memory_space<vmem>>) offsets(%dma_start3A_471 : memref<16xi32, #tpu.memory_space<vmem>>) semaphore(%dma_start3A_476 : memref<!tpu.dma_semaphore, #tpu.memory_space<semaphore_mem>>)
    %mul3A_477 = arith.constant 5 : i32
    %mul3A_478 = arith.muli %mul3A_398, %mul3A_477 : i32
    %add3A_479 = arith.constant 64 : i32
    %add3A_480 = arith.addi %mul3A_478, %add3A_479 : i32
    %dma_start3A_481 = arith.constant 4 : i32
    %dma_start3A_482 = arith.constant 0 : i32
    %dma_start3A_483 = tpu.memref_slice %arg13[%add3A_480, %dma_start3A_482] : memref<480x128xf32, #tpu.memory_space<vmem>> -> memref<16x128xf32, #tpu.memory_space<vmem>>
    %dma_start3A_484 = arith.constant 64 : i32
    %dma_start3A_485 = tpu.memref_slice %arg10[%dma_start3A_481, %dma_start3A_484] : memref<5x512xi32, #tpu.memory_space<vmem>> -> memref<1x16xi32, #tpu.memory_space<vmem>>
    %dma_start3A_486 = tpu.memref_squeeze %dma_start3A_485 : memref<1x16xi32, #tpu.memory_space<vmem>> -> memref<16xi32, #tpu.memory_space<vmem>>
    %dma_start3A_487 = arith.constant 0 : i32
    %dma_start3A_488 = arith.constant 0 : i32
    %dma_start3A_489 = tpu.memref_slice %arg6[%dma_start3A_487, %dma_start3A_488] : memref<100000x128xf32, #tpu.memory_space<hbm>> -> memref<100000x128xf32, #tpu.memory_space<hbm>>
    %dma_start3A_490 = tpu.memref_slice %arg15[%rem3A_396] : memref<6x!tpu.dma_semaphore, #tpu.memory_space<semaphore_mem>> -> memref<1x!tpu.dma_semaphore, #tpu.memory_space<semaphore_mem>>
    %dma_start3A_491 = tpu.memref_squeeze %dma_start3A_490 : memref<1x!tpu.dma_semaphore, #tpu.memory_space<semaphore_mem>> -> memref<!tpu.dma_semaphore, #tpu.memory_space<semaphore_mem>>
    tpu.enqueue_indirect_dma source(%dma_start3A_489 : memref<100000x128xf32, #tpu.memory_space<hbm>>) target(%dma_start3A_483 : memref<16x128xf32, #tpu.memory_space<vmem>>) offsets(%dma_start3A_486 : memref<16xi32, #tpu.memory_space<vmem>>) semaphore(%dma_start3A_491 : memref<!tpu.dma_semaphore, #tpu.memory_space<semaphore_mem>>)
    %scan3A = arith.constant 0 : i32
    %scan3A_492 = arith.constant 0 : i32
    %scan3A_493 = arith.constant 32 : i32
    %scan3A_494 = arith.addi %scan3A_492, %scan3A_493 : i32
    %scan3A_495 = arith.constant 1 : i32
    %scan3A_496 = scf.for %scan3A_498 = %scan3A_492 to %scan3A_494 step %scan3A_495 iter_args(%scan3A_499 = %scan3A) -> (i32)  : i32 {
      %add3A_500 = arith.constant 6 : i32
      %add3A_501 = arith.addi %scan3A_498, %add3A_500 : i32
      %sub3A = arith.constant 1 : i32
      %sub3A_502 = arith.subi %add3A_501, %sub3A : i32
      %lt3A = arith.constant 32 : i32
      %lt3A_503 = arith.cmpi slt, %sub3A_502, %lt3A : i32
      %convert_element_type3A = arith.extui %lt3A_503 : i1 to i32
      %cond3A = arith.constant 0 : i32
      %cond3A_504 = arith.cmpi ne, %convert_element_type3A, %cond3A : i32
      scf.if %cond3A_504 {
        %add3A_644 = arith.constant 6 : i32
        %add3A_645 = arith.addi %scan3A_498, %add3A_644 : i32
        %sub3A_646 = arith.constant 1 : i32
        %sub3A_647 = arith.subi %add3A_645, %sub3A_646 : i32
        %rem3A_648 = arith.constant 6 : i32
        %rem3A_649 = arith.remsi %sub3A_647, %rem3A_648 : i32
        %mul3A_650 = arith.constant 16 : i32
        %mul3A_651 = arith.muli %rem3A_649, %mul3A_650 : i32
        %mul3A_652 = arith.constant 16 : i32
        %mul3A_653 = arith.muli %sub3A_647, %mul3A_652 : i32
        %dma_start3A_654 = arith.constant 0 : i32
        %dma_start3A_655 = tpu.memref_slice %arg11[%mul3A_651, %dma_start3A_654] : memref<96x128xf32, #tpu.memory_space<vmem>> -> memref<16x128xf32, #tpu.memory_space<vmem>>
        %dma_start3A_656 = tpu.memref_slice %arg8[%mul3A_653] : memref<512xi32, #tpu.memory_space<vmem>> -> memref<16xi32, #tpu.memory_space<vmem>>
        %dma_start3A_657 = arith.constant 0 : i32
        %dma_start3A_658 = arith.constant 0 : i32
        %dma_start3A_659 = tpu.memref_slice %arg5[%dma_start3A_657, %dma_start3A_658] : memref<100000x128xf32, #tpu.memory_space<hbm>> -> memref<100000x128xf32, #tpu.memory_space<hbm>>
        %dma_start3A_660 = tpu.memref_slice %arg15[%rem3A_649] : memref<6x!tpu.dma_semaphore, #tpu.memory_space<semaphore_mem>> -> memref<1x!tpu.dma_semaphore, #tpu.memory_space<semaphore_mem>>
        %dma_start3A_661 = tpu.memref_squeeze %dma_start3A_660 : memref<1x!tpu.dma_semaphore, #tpu.memory_space<semaphore_mem>> -> memref<!tpu.dma_semaphore, #tpu.memory_space<semaphore_mem>>
        tpu.enqueue_indirect_dma source(%dma_start3A_659 : memref<100000x128xf32, #tpu.memory_space<hbm>>) target(%dma_start3A_655 : memref<16x128xf32, #tpu.memory_space<vmem>>) offsets(%dma_start3A_656 : memref<16xi32, #tpu.memory_space<vmem>>) semaphore(%dma_start3A_661 : memref<!tpu.dma_semaphore, #tpu.memory_space<semaphore_mem>>)
        %dma_start3A_662 = arith.constant 0 : i32
        %dma_start3A_663 = tpu.memref_slice %arg12[%mul3A_651, %dma_start3A_662] : memref<96x128xf32, #tpu.memory_space<vmem>> -> memref<16x128xf32, #tpu.memory_space<vmem>>
        %dma_start3A_664 = tpu.memref_slice %arg9[%mul3A_653] : memref<512xi32, #tpu.memory_space<vmem>> -> memref<16xi32, #tpu.memory_space<vmem>>
        %dma_start3A_665 = arith.constant 0 : i32
        %dma_start3A_666 = arith.constant 0 : i32
        %dma_start3A_667 = tpu.memref_slice %arg6[%dma_start3A_665, %dma_start3A_666] : memref<100000x128xf32, #tpu.memory_space<hbm>> -> memref<100000x128xf32, #tpu.memory_space<hbm>>
        %dma_start3A_668 = tpu.memref_slice %arg15[%rem3A_649] : memref<6x!tpu.dma_semaphore, #tpu.memory_space<semaphore_mem>> -> memref<1x!tpu.dma_semaphore, #tpu.memory_space<semaphore_mem>>
        %dma_start3A_669 = tpu.memref_squeeze %dma_start3A_668 : memref<1x!tpu.dma_semaphore, #tpu.memory_space<semaphore_mem>> -> memref<!tpu.dma_semaphore, #tpu.memory_space<semaphore_mem>>
        tpu.enqueue_indirect_dma source(%dma_start3A_667 : memref<100000x128xf32, #tpu.memory_space<hbm>>) target(%dma_start3A_663 : memref<16x128xf32, #tpu.memory_space<vmem>>) offsets(%dma_start3A_664 : memref<16xi32, #tpu.memory_space<vmem>>) semaphore(%dma_start3A_669 : memref<!tpu.dma_semaphore, #tpu.memory_space<semaphore_mem>>)
        %mul3A_670 = arith.constant 5 : i32
        %mul3A_671 = arith.muli %mul3A_651, %mul3A_670 : i32
        %add3A_672 = arith.constant 0 : i32
        %add3A_673 = arith.addi %mul3A_671, %add3A_672 : i32
        %dma_start3A_674 = arith.constant 0 : i32
        %dma_start3A_675 = arith.constant 0 : i32
        %dma_start3A_676 = tpu.memref_slice %arg13[%add3A_673, %dma_start3A_675] : memref<480x128xf32, #tpu.memory_space<vmem>> -> memref<16x128xf32, #tpu.memory_space<vmem>>
        %dma_start3A_677 = tpu.memref_slice %arg10[%dma_start3A_674, %mul3A_653] : memref<5x512xi32, #tpu.memory_space<vmem>> -> memref<1x16xi32, #tpu.memory_space<vmem>>
        %dma_start3A_678 = tpu.memref_squeeze %dma_start3A_677 : memref<1x16xi32, #tpu.memory_space<vmem>> -> memref<16xi32, #tpu.memory_space<vmem>>
        %dma_start3A_679 = arith.constant 0 : i32
        %dma_start3A_680 = arith.constant 0 : i32
        %dma_start3A_681 = tpu.memref_slice %arg6[%dma_start3A_679, %dma_start3A_680] : memref<100000x128xf32, #tpu.memory_space<hbm>> -> memref<100000x128xf32, #tpu.memory_space<hbm>>
        %dma_start3A_682 = tpu.memref_slice %arg15[%rem3A_649] : memref<6x!tpu.dma_semaphore, #tpu.memory_space<semaphore_mem>> -> memref<1x!tpu.dma_semaphore, #tpu.memory_space<semaphore_mem>>
        %dma_start3A_683 = tpu.memref_squeeze %dma_start3A_682 : memref<1x!tpu.dma_semaphore, #tpu.memory_space<semaphore_mem>> -> memref<!tpu.dma_semaphore, #tpu.memory_space<semaphore_mem>>
        tpu.enqueue_indirect_dma source(%dma_start3A_681 : memref<100000x128xf32, #tpu.memory_space<hbm>>) target(%dma_start3A_676 : memref<16x128xf32, #tpu.memory_space<vmem>>) offsets(%dma_start3A_678 : memref<16xi32, #tpu.memory_space<vmem>>) semaphore(%dma_start3A_683 : memref<!tpu.dma_semaphore, #tpu.memory_space<semaphore_mem>>)
        %mul3A_684 = arith.constant 5 : i32
        %mul3A_685 = arith.muli %mul3A_651, %mul3A_684 : i32
        %add3A_686 = arith.constant 16 : i32
        %add3A_687 = arith.addi %mul3A_685, %add3A_686 : i32
        %dma_start3A_688 = arith.constant 1 : i32
        %dma_start3A_689 = arith.constant 0 : i32
        %dma_start3A_690 = tpu.memref_slice %arg13[%add3A_687, %dma_start3A_689] : memref<480x128xf32, #tpu.memory_space<vmem>> -> memref<16x128xf32, #tpu.memory_space<vmem>>
        %dma_start3A_691 = tpu.memref_slice %arg10[%dma_start3A_688, %mul3A_653] : memref<5x512xi32, #tpu.memory_space<vmem>> -> memref<1x16xi32, #tpu.memory_space<vmem>>
        %dma_start3A_692 = tpu.memref_squeeze %dma_start3A_691 : memref<1x16xi32, #tpu.memory_space<vmem>> -> memref<16xi32, #tpu.memory_space<vmem>>
        %dma_start3A_693 = arith.constant 0 : i32
        %dma_start3A_694 = arith.constant 0 : i32
        %dma_start3A_695 = tpu.memref_slice %arg6[%dma_start3A_693, %dma_start3A_694] : memref<100000x128xf32, #tpu.memory_space<hbm>> -> memref<100000x128xf32, #tpu.memory_space<hbm>>
        %dma_start3A_696 = tpu.memref_slice %arg15[%rem3A_649] : memref<6x!tpu.dma_semaphore, #tpu.memory_space<semaphore_mem>> -> memref<1x!tpu.dma_semaphore, #tpu.memory_space<semaphore_mem>>
        %dma_start3A_697 = tpu.memref_squeeze %dma_start3A_696 : memref<1x!tpu.dma_semaphore, #tpu.memory_space<semaphore_mem>> -> memref<!tpu.dma_semaphore, #tpu.memory_space<semaphore_mem>>
        tpu.enqueue_indirect_dma source(%dma_start3A_695 : memref<100000x128xf32, #tpu.memory_space<hbm>>) target(%dma_start3A_690 : memref<16x128xf32, #tpu.memory_space<vmem>>) offsets(%dma_start3A_692 : memref<16xi32, #tpu.memory_space<vmem>>) semaphore(%dma_start3A_697 : memref<!tpu.dma_semaphore, #tpu.memory_space<semaphore_mem>>)
        %mul3A_698 = arith.constant 5 : i32
        %mul3A_699 = arith.muli %mul3A_651, %mul3A_698 : i32
        %add3A_700 = arith.constant 32 : i32
        %add3A_701 = arith.addi %mul3A_699, %add3A_700 : i32
        %dma_start3A_702 = arith.constant 2 : i32
        %dma_start3A_703 = arith.constant 0 : i32
        %dma_start3A_704 = tpu.memref_slice %arg13[%add3A_701, %dma_start3A_703] : memref<480x128xf32, #tpu.memory_space<vmem>> -> memref<16x128xf32, #tpu.memory_space<vmem>>
        %dma_start3A_705 = tpu.memref_slice %arg10[%dma_start3A_702, %mul3A_653] : memref<5x512xi32, #tpu.memory_space<vmem>> -> memref<1x16xi32, #tpu.memory_space<vmem>>
        %dma_start3A_706 = tpu.memref_squeeze %dma_start3A_705 : memref<1x16xi32, #tpu.memory_space<vmem>> -> memref<16xi32, #tpu.memory_space<vmem>>
        %dma_start3A_707 = arith.constant 0 : i32
        %dma_start3A_708 = arith.constant 0 : i32
        %dma_start3A_709 = tpu.memref_slice %arg6[%dma_start3A_707, %dma_start3A_708] : memref<100000x128xf32, #tpu.memory_space<hbm>> -> memref<100000x128xf32, #tpu.memory_space<hbm>>
        %dma_start3A_710 = tpu.memref_slice %arg15[%rem3A_649] : memref<6x!tpu.dma_semaphore, #tpu.memory_space<semaphore_mem>> -> memref<1x!tpu.dma_semaphore, #tpu.memory_space<semaphore_mem>>
        %dma_start3A_711 = tpu.memref_squeeze %dma_start3A_710 : memref<1x!tpu.dma_semaphore, #tpu.memory_space<semaphore_mem>> -> memref<!tpu.dma_semaphore, #tpu.memory_space<semaphore_mem>>
        tpu.enqueue_indirect_dma source(%dma_start3A_709 : memref<100000x128xf32, #tpu.memory_space<hbm>>) target(%dma_start3A_704 : memref<16x128xf32, #tpu.memory_space<vmem>>) offsets(%dma_start3A_706 : memref<16xi32, #tpu.memory_space<vmem>>) semaphore(%dma_start3A_711 : memref<!tpu.dma_semaphore, #tpu.memory_space<semaphore_mem>>)
        %mul3A_712 = arith.constant 5 : i32
        %mul3A_713 = arith.muli %mul3A_651, %mul3A_712 : i32
        %add3A_714 = arith.constant 48 : i32
        %add3A_715 = arith.addi %mul3A_713, %add3A_714 : i32
        %dma_start3A_716 = arith.constant 3 : i32
        %dma_start3A_717 = arith.constant 0 : i32
        %dma_start3A_718 = tpu.memref_slice %arg13[%add3A_715, %dma_start3A_717] : memref<480x128xf32, #tpu.memory_space<vmem>> -> memref<16x128xf32, #tpu.memory_space<vmem>>
        %dma_start3A_719 = tpu.memref_slice %arg10[%dma_start3A_716, %mul3A_653] : memref<5x512xi32, #tpu.memory_space<vmem>> -> memref<1x16xi32, #tpu.memory_space<vmem>>
        %dma_start3A_720 = tpu.memref_squeeze %dma_start3A_719 : memref<1x16xi32, #tpu.memory_space<vmem>> -> memref<16xi32, #tpu.memory_space<vmem>>
        %dma_start3A_721 = arith.constant 0 : i32
        %dma_start3A_722 = arith.constant 0 : i32
        %dma_start3A_723 = tpu.memref_slice %arg6[%dma_start3A_721, %dma_start3A_722] : memref<100000x128xf32, #tpu.memory_space<hbm>> -> memref<100000x128xf32, #tpu.memory_space<hbm>>
        %dma_start3A_724 = tpu.memref_slice %arg15[%rem3A_649] : memref<6x!tpu.dma_semaphore, #tpu.memory_space<semaphore_mem>> -> memref<1x!tpu.dma_semaphore, #tpu.memory_space<semaphore_mem>>
        %dma_start3A_725 = tpu.memref_squeeze %dma_start3A_724 : memref<1x!tpu.dma_semaphore, #tpu.memory_space<semaphore_mem>> -> memref<!tpu.dma_semaphore, #tpu.memory_space<semaphore_mem>>
        tpu.enqueue_indirect_dma source(%dma_start3A_723 : memref<100000x128xf32, #tpu.memory_space<hbm>>) target(%dma_start3A_718 : memref<16x128xf32, #tpu.memory_space<vmem>>) offsets(%dma_start3A_720 : memref<16xi32, #tpu.memory_space<vmem>>) semaphore(%dma_start3A_725 : memref<!tpu.dma_semaphore, #tpu.memory_space<semaphore_mem>>)
        %mul3A_726 = arith.constant 5 : i32
        %mul3A_727 = arith.muli %mul3A_651, %mul3A_726 : i32
        %add3A_728 = arith.constant 64 : i32
        %add3A_729 = arith.addi %mul3A_727, %add3A_728 : i32
        %dma_start3A_730 = arith.constant 4 : i32
        %dma_start3A_731 = arith.constant 0 : i32
        %dma_start3A_732 = tpu.memref_slice %arg13[%add3A_729, %dma_start3A_731] : memref<480x128xf32, #tpu.memory_space<vmem>> -> memref<16x128xf32, #tpu.memory_space<vmem>>
        %dma_start3A_733 = tpu.memref_slice %arg10[%dma_start3A_730, %mul3A_653] : memref<5x512xi32, #tpu.memory_space<vmem>> -> memref<1x16xi32, #tpu.memory_space<vmem>>
        %dma_start3A_734 = tpu.memref_squeeze %dma_start3A_733 : memref<1x16xi32, #tpu.memory_space<vmem>> -> memref<16xi32, #tpu.memory_space<vmem>>
        %dma_start3A_735 = arith.constant 0 : i32
        %dma_start3A_736 = arith.constant 0 : i32
        %dma_start3A_737 = tpu.memref_slice %arg6[%dma_start3A_735, %dma_start3A_736] : memref<100000x128xf32, #tpu.memory_space<hbm>> -> memref<100000x128xf32, #tpu.memory_space<hbm>>
        %dma_start3A_738 = tpu.memref_slice %arg15[%rem3A_649] : memref<6x!tpu.dma_semaphore, #tpu.memory_space<semaphore_mem>> -> memref<1x!tpu.dma_semaphore, #tpu.memory_space<semaphore_mem>>
        %dma_start3A_739 = tpu.memref_squeeze %dma_start3A_738 : memref<1x!tpu.dma_semaphore, #tpu.memory_space<semaphore_mem>> -> memref<!tpu.dma_semaphore, #tpu.memory_space<semaphore_mem>>
        tpu.enqueue_indirect_dma source(%dma_start3A_737 : memref<100000x128xf32, #tpu.memory_space<hbm>>) target(%dma_start3A_732 : memref<16x128xf32, #tpu.memory_space<vmem>>) offsets(%dma_start3A_734 : memref<16xi32, #tpu.memory_space<vmem>>) semaphore(%dma_start3A_739 : memref<!tpu.dma_semaphore, #tpu.memory_space<semaphore_mem>>)
      } else {
      }
      %rem3A_505 = arith.constant 6 : i32
      %rem3A_506 = arith.remsi %scan3A_498, %rem3A_505 : i32
      %mul3A_507 = arith.constant 16 : i32
      %mul3A_508 = arith.muli %rem3A_506, %mul3A_507 : i32
      %dma_wait3A = arith.constant 0 : i32
      %dma_wait3A_509 = tpu.memref_slice %arg11[%mul3A_508, %dma_wait3A] : memref<96x128xf32, #tpu.memory_space<vmem>> -> memref<16x128xf32, #tpu.memory_space<vmem>>
      %dma_wait3A_510 = arith.constant 0 : i32
      %dma_wait3A_511 = tpu.memref_slice %arg8[%dma_wait3A_510] : memref<512xi32, #tpu.memory_space<vmem>> -> memref<16xi32, #tpu.memory_space<vmem>>
      %dma_wait3A_512 = arith.constant 0 : i32
      %dma_wait3A_513 = arith.constant 0 : i32
      %dma_wait3A_514 = tpu.memref_slice %arg5[%dma_wait3A_512, %dma_wait3A_513] : memref<100000x128xf32, #tpu.memory_space<hbm>> -> memref<100000x128xf32, #tpu.memory_space<hbm>>
      %dma_wait3A_515 = tpu.memref_slice %arg15[%rem3A_506] : memref<6x!tpu.dma_semaphore, #tpu.memory_space<semaphore_mem>> -> memref<1x!tpu.dma_semaphore, #tpu.memory_space<semaphore_mem>>
      %dma_wait3A_516 = tpu.memref_squeeze %dma_wait3A_515 : memref<1x!tpu.dma_semaphore, #tpu.memory_space<semaphore_mem>> -> memref<!tpu.dma_semaphore, #tpu.memory_space<semaphore_mem>>
      tpu.wait_indirect_dma semaphore(%dma_wait3A_516 : memref<!tpu.dma_semaphore, #tpu.memory_space<semaphore_mem>>) src(%dma_wait3A_514 : memref<100000x128xf32, #tpu.memory_space<hbm>>) dst(%dma_wait3A_509 : memref<16x128xf32, #tpu.memory_space<vmem>>)
      %dma_wait3A_517 = arith.constant 0 : i32
      %dma_wait3A_518 = tpu.memref_slice %arg12[%mul3A_508, %dma_wait3A_517] : memref<96x128xf32, #tpu.memory_space<vmem>> -> memref<16x128xf32, #tpu.memory_space<vmem>>
      %dma_wait3A_519 = arith.constant 0 : i32
      %dma_wait3A_520 = tpu.memref_slice %arg9[%dma_wait3A_519] : memref<512xi32, #tpu.memory_space<vmem>> -> memref<16xi32, #tpu.memory_space<vmem>>
      %dma_wait3A_521 = arith.constant 0 : i32
      %dma_wait3A_522 = arith.constant 0 : i32
      %dma_wait3A_523 = tpu.memref_slice %arg6[%dma_wait3A_521, %dma_wait3A_522] : memref<100000x128xf32, #tpu.memory_space<hbm>> -> memref<100000x128xf32, #tpu.memory_space<hbm>>
      %dma_wait3A_524 = tpu.memref_slice %arg15[%rem3A_506] : memref<6x!tpu.dma_semaphore, #tpu.memory_space<semaphore_mem>> -> memref<1x!tpu.dma_semaphore, #tpu.memory_space<semaphore_mem>>
      %dma_wait3A_525 = tpu.memref_squeeze %dma_wait3A_524 : memref<1x!tpu.dma_semaphore, #tpu.memory_space<semaphore_mem>> -> memref<!tpu.dma_semaphore, #tpu.memory_space<semaphore_mem>>
      tpu.wait_indirect_dma semaphore(%dma_wait3A_525 : memref<!tpu.dma_semaphore, #tpu.memory_space<semaphore_mem>>) src(%dma_wait3A_523 : memref<100000x128xf32, #tpu.memory_space<hbm>>) dst(%dma_wait3A_518 : memref<16x128xf32, #tpu.memory_space<vmem>>)
      %mul3A_526 = arith.constant 5 : i32
      %mul3A_527 = arith.muli %mul3A_508, %mul3A_526 : i32
      %add3A_528 = arith.constant 0 : i32
      %add3A_529 = arith.addi %mul3A_527, %add3A_528 : i32
      %dma_wait3A_530 = arith.constant 0 : i32
      %dma_wait3A_531 = arith.constant 0 : i32
      %dma_wait3A_532 = tpu.memref_slice %arg13[%add3A_529, %dma_wait3A_531] : memref<480x128xf32, #tpu.memory_space<vmem>> -> memref<16x128xf32, #tpu.memory_space<vmem>>
      %dma_wait3A_533 = arith.constant 0 : i32
      %dma_wait3A_534 = tpu.memref_slice %arg10[%dma_wait3A_530, %dma_wait3A_533] : memref<5x512xi32, #tpu.memory_space<vmem>> -> memref<1x16xi32, #tpu.memory_space<vmem>>
      %dma_wait3A_535 = tpu.memref_squeeze %dma_wait3A_534 : memref<1x16xi32, #tpu.memory_space<vmem>> -> memref<16xi32, #tpu.memory_space<vmem>>
      %dma_wait3A_536 = arith.constant 0 : i32
      %dma_wait3A_537 = arith.constant 0 : i32
      %dma_wait3A_538 = tpu.memref_slice %arg6[%dma_wait3A_536, %dma_wait3A_537] : memref<100000x128xf32, #tpu.memory_space<hbm>> -> memref<100000x128xf32, #tpu.memory_space<hbm>>
      %dma_wait3A_539 = tpu.memref_slice %arg15[%rem3A_506] : memref<6x!tpu.dma_semaphore, #tpu.memory_space<semaphore_mem>> -> memref<1x!tpu.dma_semaphore, #tpu.memory_space<semaphore_mem>>
      %dma_wait3A_540 = tpu.memref_squeeze %dma_wait3A_539 : memref<1x!tpu.dma_semaphore, #tpu.memory_space<semaphore_mem>> -> memref<!tpu.dma_semaphore, #tpu.memory_space<semaphore_mem>>
      tpu.wait_indirect_dma semaphore(%dma_wait3A_540 : memref<!tpu.dma_semaphore, #tpu.memory_space<semaphore_mem>>) src(%dma_wait3A_538 : memref<100000x128xf32, #tpu.memory_space<hbm>>) dst(%dma_wait3A_532 : memref<16x128xf32, #tpu.memory_space<vmem>>)
      %mul3A_541 = arith.constant 5 : i32
      %mul3A_542 = arith.muli %mul3A_508, %mul3A_541 : i32
      %add3A_543 = arith.constant 16 : i32
      %add3A_544 = arith.addi %mul3A_542, %add3A_543 : i32
      %dma_wait3A_545 = arith.constant 1 : i32
      %dma_wait3A_546 = arith.constant 0 : i32
      %dma_wait3A_547 = tpu.memref_slice %arg13[%add3A_544, %dma_wait3A_546] : memref<480x128xf32, #tpu.memory_space<vmem>> -> memref<16x128xf32, #tpu.memory_space<vmem>>
      %dma_wait3A_548 = arith.constant 0 : i32
      %dma_wait3A_549 = tpu.memref_slice %arg10[%dma_wait3A_545, %dma_wait3A_548] : memref<5x512xi32, #tpu.memory_space<vmem>> -> memref<1x16xi32, #tpu.memory_space<vmem>>
      %dma_wait3A_550 = tpu.memref_squeeze %dma_wait3A_549 : memref<1x16xi32, #tpu.memory_space<vmem>> -> memref<16xi32, #tpu.memory_space<vmem>>
      %dma_wait3A_551 = arith.constant 0 : i32
      %dma_wait3A_552 = arith.constant 0 : i32
      %dma_wait3A_553 = tpu.memref_slice %arg6[%dma_wait3A_551, %dma_wait3A_552] : memref<100000x128xf32, #tpu.memory_space<hbm>> -> memref<100000x128xf32, #tpu.memory_space<hbm>>
      %dma_wait3A_554 = tpu.memref_slice %arg15[%rem3A_506] : memref<6x!tpu.dma_semaphore, #tpu.memory_space<semaphore_mem>> -> memref<1x!tpu.dma_semaphore, #tpu.memory_space<semaphore_mem>>
      %dma_wait3A_555 = tpu.memref_squeeze %dma_wait3A_554 : memref<1x!tpu.dma_semaphore, #tpu.memory_space<semaphore_mem>> -> memref<!tpu.dma_semaphore, #tpu.memory_space<semaphore_mem>>
      tpu.wait_indirect_dma semaphore(%dma_wait3A_555 : memref<!tpu.dma_semaphore, #tpu.memory_space<semaphore_mem>>) src(%dma_wait3A_553 : memref<100000x128xf32, #tpu.memory_space<hbm>>) dst(%dma_wait3A_547 : memref<16x128xf32, #tpu.memory_space<vmem>>)
      %mul3A_556 = arith.constant 5 : i32
      %mul3A_557 = arith.muli %mul3A_508, %mul3A_556 : i32
      %add3A_558 = arith.constant 32 : i32
      %add3A_559 = arith.addi %mul3A_557, %add3A_558 : i32
      %dma_wait3A_560 = arith.constant 2 : i32
      %dma_wait3A_561 = arith.constant 0 : i32
      %dma_wait3A_562 = tpu.memref_slice %arg13[%add3A_559, %dma_wait3A_561] : memref<480x128xf32, #tpu.memory_space<vmem>> -> memref<16x128xf32, #tpu.memory_space<vmem>>
      %dma_wait3A_563 = arith.constant 0 : i32
      %dma_wait3A_564 = tpu.memref_slice %arg10[%dma_wait3A_560, %dma_wait3A_563] : memref<5x512xi32, #tpu.memory_space<vmem>> -> memref<1x16xi32, #tpu.memory_space<vmem>>
      %dma_wait3A_565 = tpu.memref_squeeze %dma_wait3A_564 : memref<1x16xi32, #tpu.memory_space<vmem>> -> memref<16xi32, #tpu.memory_space<vmem>>
      %dma_wait3A_566 = arith.constant 0 : i32
      %dma_wait3A_567 = arith.constant 0 : i32
      %dma_wait3A_568 = tpu.memref_slice %arg6[%dma_wait3A_566, %dma_wait3A_567] : memref<100000x128xf32, #tpu.memory_space<hbm>> -> memref<100000x128xf32, #tpu.memory_space<hbm>>
      %dma_wait3A_569 = tpu.memref_slice %arg15[%rem3A_506] : memref<6x!tpu.dma_semaphore, #tpu.memory_space<semaphore_mem>> -> memref<1x!tpu.dma_semaphore, #tpu.memory_space<semaphore_mem>>
      %dma_wait3A_570 = tpu.memref_squeeze %dma_wait3A_569 : memref<1x!tpu.dma_semaphore, #tpu.memory_space<semaphore_mem>> -> memref<!tpu.dma_semaphore, #tpu.memory_space<semaphore_mem>>
      tpu.wait_indirect_dma semaphore(%dma_wait3A_570 : memref<!tpu.dma_semaphore, #tpu.memory_space<semaphore_mem>>) src(%dma_wait3A_568 : memref<100000x128xf32, #tpu.memory_space<hbm>>) dst(%dma_wait3A_562 : memref<16x128xf32, #tpu.memory_space<vmem>>)
      %mul3A_571 = arith.constant 5 : i32
      %mul3A_572 = arith.muli %mul3A_508, %mul3A_571 : i32
      %add3A_573 = arith.constant 48 : i32
      %add3A_574 = arith.addi %mul3A_572, %add3A_573 : i32
      %dma_wait3A_575 = arith.constant 3 : i32
      %dma_wait3A_576 = arith.constant 0 : i32
      %dma_wait3A_577 = tpu.memref_slice %arg13[%add3A_574, %dma_wait3A_576] : memref<480x128xf32, #tpu.memory_space<vmem>> -> memref<16x128xf32, #tpu.memory_space<vmem>>
      %dma_wait3A_578 = arith.constant 0 : i32
      %dma_wait3A_579 = tpu.memref_slice %arg10[%dma_wait3A_575, %dma_wait3A_578] : memref<5x512xi32, #tpu.memory_space<vmem>> -> memref<1x16xi32, #tpu.memory_space<vmem>>
      %dma_wait3A_580 = tpu.memref_squeeze %dma_wait3A_579 : memref<1x16xi32, #tpu.memory_space<vmem>> -> memref<16xi32, #tpu.memory_space<vmem>>
      %dma_wait3A_581 = arith.constant 0 : i32
      %dma_wait3A_582 = arith.constant 0 : i32
      %dma_wait3A_583 = tpu.memref_slice %arg6[%dma_wait3A_581, %dma_wait3A_582] : memref<100000x128xf32, #tpu.memory_space<hbm>> -> memref<100000x128xf32, #tpu.memory_space<hbm>>
      %dma_wait3A_584 = tpu.memref_slice %arg15[%rem3A_506] : memref<6x!tpu.dma_semaphore, #tpu.memory_space<semaphore_mem>> -> memref<1x!tpu.dma_semaphore, #tpu.memory_space<semaphore_mem>>
      %dma_wait3A_585 = tpu.memref_squeeze %dma_wait3A_584 : memref<1x!tpu.dma_semaphore, #tpu.memory_space<semaphore_mem>> -> memref<!tpu.dma_semaphore, #tpu.memory_space<semaphore_mem>>
      tpu.wait_indirect_dma semaphore(%dma_wait3A_585 : memref<!tpu.dma_semaphore, #tpu.memory_space<semaphore_mem>>) src(%dma_wait3A_583 : memref<100000x128xf32, #tpu.memory_space<hbm>>) dst(%dma_wait3A_577 : memref<16x128xf32, #tpu.memory_space<vmem>>)
      %mul3A_586 = arith.constant 5 : i32
      %mul3A_587 = arith.muli %mul3A_508, %mul3A_586 : i32
      %add3A_588 = arith.constant 64 : i32
      %add3A_589 = arith.addi %mul3A_587, %add3A_588 : i32
      %dma_wait3A_590 = arith.constant 4 : i32
      %dma_wait3A_591 = arith.constant 0 : i32
      %dma_wait3A_592 = tpu.memref_slice %arg13[%add3A_589, %dma_wait3A_591] : memref<480x128xf32, #tpu.memory_space<vmem>> -> memref<16x128xf32, #tpu.memory_space<vmem>>
      %dma_wait3A_593 = arith.constant 0 : i32
      %dma_wait3A_594 = tpu.memref_slice %arg10[%dma_wait3A_590, %dma_wait3A_593] : memref<5x512xi32, #tpu.memory_space<vmem>> -> memref<1x16xi32, #tpu.memory_space<vmem>>
      %dma_wait3A_595 = tpu.memref_squeeze %dma_wait3A_594 : memref<1x16xi32, #tpu.memory_space<vmem>> -> memref<16xi32, #tpu.memory_space<vmem>>
      %dma_wait3A_596 = arith.constant 0 : i32
      %dma_wait3A_597 = arith.constant 0 : i32
      %dma_wait3A_598 = tpu.memref_slice %arg6[%dma_wait3A_596, %dma_wait3A_597] : memref<100000x128xf32, #tpu.memory_space<hbm>> -> memref<100000x128xf32, #tpu.memory_space<hbm>>
      %dma_wait3A_599 = tpu.memref_slice %arg15[%rem3A_506] : memref<6x!tpu.dma_semaphore, #tpu.memory_space<semaphore_mem>> -> memref<1x!tpu.dma_semaphore, #tpu.memory_space<semaphore_mem>>
      %dma_wait3A_600 = tpu.memref_squeeze %dma_wait3A_599 : memref<1x!tpu.dma_semaphore, #tpu.memory_space<semaphore_mem>> -> memref<!tpu.dma_semaphore, #tpu.memory_space<semaphore_mem>>
      tpu.wait_indirect_dma semaphore(%dma_wait3A_600 : memref<!tpu.dma_semaphore, #tpu.memory_space<semaphore_mem>>) src(%dma_wait3A_598 : memref<100000x128xf32, #tpu.memory_space<hbm>>) dst(%dma_wait3A_592 : memref<16x128xf32, #tpu.memory_space<vmem>>)
      %rem3A_601 = arith.constant 6 : i32
      %rem3A_602 = arith.remsi %scan3A_498, %rem3A_601 : i32
      %mul3A_603 = arith.constant 16 : i32
      %mul3A_604 = arith.muli %rem3A_602, %mul3A_603 : i32
      %mul3A_605 = arith.constant 16 : i32
      %mul3A_606 = arith.muli %scan3A_498, %mul3A_605 : i32
      %scan3A_607 = arith.constant 0 : i32
      %scan3A_608 = arith.constant 0 : i32
      %scan3A_609 = arith.constant 0 : i32
      %scan3A_610 = arith.constant 16 : i32
      %scan3A_611 = arith.addi %scan3A_609, %scan3A_610 : i32
      %scan3A_612 = arith.constant 1 : i32
      %scan3A_613:6 = scf.for %scan3A_644 = %scan3A_609 to %scan3A_611 step %scan3A_612 iter_args(%scan3A_645 = %broadcast_in_dim3A_3, %scan3A_646 = %broadcast_in_dim3A_3, %scan3A_647 = %broadcast_in_dim3A_3, %scan3A_648 = %broadcast_in_dim3A_3, %scan3A_649 = %broadcast_in_dim3A_3, %scan3A_650 = %broadcast_in_dim3A_3) -> (vector<16xf32>, vector<16xf32>, vector<16xf32>, vector<16xf32>, vector<16xf32>, vector<16xf32>)  : i32 {
        %mul3A_651 = arith.constant 16 : i32
        %mul3A_652 = arith.muli %scan3A_608, %mul3A_651 : i32
        %add3A_653 = arith.addi %mul3A_652, %scan3A_644 : i32
        %add3A_654 = arith.addi %mul3A_604, %add3A_653 : i32
        %get3A = arith.index_cast %add3A_654 : i32 to index
        %get3A_655 = arith.constant 0 : index
        %get3A_656 = tpu.vector_load %arg11[%get3A, %get3A_655] {strides = array<i32>} : memref<96x128xf32, #tpu.memory_space<vmem>>, vector<16xf32>,
        %add3A_657 = arith.addi %mul3A_604, %add3A_653 : i32
        %get3A_658 = arith.index_cast %add3A_657 : i32 to index
        %get3A_659 = arith.constant 0 : index
        %get3A_660 = tpu.vector_load %arg12[%get3A_658, %get3A_659] {strides = array<i32>} : memref<96x128xf32, #tpu.memory_space<vmem>>, vector<16xf32>,
        %mul3A_661 = arith.mulf %get3A_656, %get3A_660 : vector<16xf32>
        %add3A_662 = arith.addf %broadcast_in_dim3A_3, %mul3A_661 : vector<16xf32>
        %mul3A_663 = arith.constant 5 : i32
        %mul3A_664 = arith.muli %mul3A_604, %mul3A_663 : i32
        %add3A_665 = arith.constant 0 : i32
        %add3A_666 = arith.addi %mul3A_664, %add3A_665 : i32
        %add3A_667 = arith.addi %add3A_666, %add3A_653 : i32
        %get3A_668 = arith.index_cast %add3A_667 : i32 to index
        %get3A_669 = arith.constant 0 : index
        %get3A_670 = tpu.vector_load %arg13[%get3A_668, %get3A_669] {strides = array<i32>} : memref<480x128xf32, #tpu.memory_space<vmem>>, vector<16xf32>,
        %mul3A_671 = arith.mulf %get3A_656, %get3A_670 : vector<16xf32>
        %add3A_672 = arith.addf %broadcast_in_dim3A_3, %mul3A_671 : vector<16xf32>
        %mul3A_673 = arith.constant 5 : i32
        %mul3A_674 = arith.muli %mul3A_604, %mul3A_673 : i32
        %add3A_675 = arith.constant 16 : i32
        %add3A_676 = arith.addi %mul3A_674, %add3A_675 : i32
        %add3A_677 = arith.addi %add3A_676, %add3A_653 : i32
        %get3A_678 = arith.index_cast %add3A_677 : i32 to index
        %get3A_679 = arith.constant 0 : index
        %get3A_680 = tpu.vector_load %arg13[%get3A_678, %get3A_679] {strides = array<i32>} : memref<480x128xf32, #tpu.memory_space<vmem>>, vector<16xf32>,
        %mul3A_681 = arith.mulf %get3A_656, %get3A_680 : vector<16xf32>
        %add3A_682 = arith.addf %broadcast_in_dim3A_3, %mul3A_681 : vector<16xf32>
        %mul3A_683 = arith.constant 5 : i32
        %mul3A_684 = arith.muli %mul3A_604, %mul3A_683 : i32
        %add3A_685 = arith.constant 32 : i32
        %add3A_686 = arith.addi %mul3A_684, %add3A_685 : i32
        %add3A_687 = arith.addi %add3A_686, %add3A_653 : i32
        %get3A_688 = arith.index_cast %add3A_687 : i32 to index
        %get3A_689 = arith.constant 0 : index
        %get3A_690 = tpu.vector_load %arg13[%get3A_688, %get3A_689] {strides = array<i32>} : memref<480x128xf32, #tpu.memory_space<vmem>>, vector<16xf32>,
        %mul3A_691 = arith.mulf %get3A_656, %get3A_690 : vector<16xf32>
        %add3A_692 = arith.addf %broadcast_in_dim3A_3, %mul3A_691 : vector<16xf32>
        %mul3A_693 = arith.constant 5 : i32
        %mul3A_694 = arith.muli %mul3A_604, %mul3A_693 : i32
        %add3A_695 = arith.constant 48 : i32
        %add3A_696 = arith.addi %mul3A_694, %add3A_695 : i32
        %add3A_697 = arith.addi %add3A_696, %add3A_653 : i32
        %get3A_698 = arith.index_cast %add3A_697 : i32 to index
        %get3A_699 = arith.constant 0 : index
        %get3A_700 = tpu.vector_load %arg13[%get3A_698, %get3A_699] {strides = array<i32>} : memref<480x128xf32, #tpu.memory_space<vmem>>, vector<16xf32>,
        %mul3A_701 = arith.mulf %get3A_656, %get3A_700 : vector<16xf32>
        %add3A_702 = arith.addf %broadcast_in_dim3A_3, %mul3A_701 : vector<16xf32>
        %mul3A_703 = arith.constant 5 : i32
        %mul3A_704 = arith.muli %mul3A_604, %mul3A_703 : i32
        %add3A_705 = arith.constant 64 : i32
        %add3A_706 = arith.addi %mul3A_704, %add3A_705 : i32
        %add3A_707 = arith.addi %add3A_706, %add3A_653 : i32
        %get3A_708 = arith.index_cast %add3A_707 : i32 to index
        %get3A_709 = arith.constant 0 : index
        %get3A_710 = tpu.vector_load %arg13[%get3A_708, %get3A_709] {strides = array<i32>} : memref<480x128xf32, #tpu.memory_space<vmem>>, vector<16xf32>,
        %mul3A_711 = arith.mulf %get3A_656, %get3A_710 : vector<16xf32>
        %add3A_712 = arith.addf %broadcast_in_dim3A_3, %mul3A_711 : vector<16xf32>
        %add3A_713 = arith.addi %mul3A_604, %add3A_653 : i32
        %get3A_714 = arith.index_cast %add3A_713 : i32 to index
        %get3A_715 = arith.constant 16 : index
        %get3A_716 = tpu.vector_load %arg11[%get3A_714, %get3A_715] {strides = array<i32>} : memref<96x128xf32, #tpu.memory_space<vmem>>, vector<16xf32>,
        %add3A_717 = arith.addi %mul3A_604, %add3A_653 : i32
        %get3A_718 = arith.index_cast %add3A_717 : i32 to index
        %get3A_719 = arith.constant 16 : index
        %get3A_720 = tpu.vector_load %arg12[%get3A_718, %get3A_719] {strides = array<i32>} : memref<96x128xf32, #tpu.memory_space<vmem>>, vector<16xf32>,
        %mul3A_721 = arith.mulf %get3A_716, %get3A_720 : vector<16xf32>
        %add3A_722 = arith.addf %add3A_662, %mul3A_721 : vector<16xf32>
        %mul3A_723 = arith.constant 5 : i32
        %mul3A_724 = arith.muli %mul3A_604, %mul3A_723 : i32
        %add3A_725 = arith.constant 0 : i32
        %add3A_726 = arith.addi %mul3A_724, %add3A_725 : i32
        %add3A_727 = arith.addi %add3A_726, %add3A_653 : i32
        %get3A_728 = arith.index_cast %add3A_727 : i32 to index
        %get3A_729 = arith.constant 16 : index
        %get3A_730 = tpu.vector_load %arg13[%get3A_728, %get3A_729] {strides = array<i32>} : memref<480x128xf32, #tpu.memory_space<vmem>>, vector<16xf32>,
        %mul3A_731 = arith.mulf %get3A_716, %get3A_730 : vector<16xf32>
        %add3A_732 = arith.addf %add3A_672, %mul3A_731 : vector<16xf32>
        %mul3A_733 = arith.constant 5 : i32
        %mul3A_734 = arith.muli %mul3A_604, %mul3A_733 : i32
        %add3A_735 = arith.constant 16 : i32
        %add3A_736 = arith.addi %mul3A_734, %add3A_735 : i32
        %add3A_737 = arith.addi %add3A_736, %add3A_653 : i32
        %get3A_738 = arith.index_cast %add3A_737 : i32 to index
        %get3A_739 = arith.constant 16 : index
        %get3A_740 = tpu.vector_load %arg13[%get3A_738, %get3A_739] {strides = array<i32>} : memref<480x128xf32, #tpu.memory_space<vmem>>, vector<16xf32>,
        %mul3A_741 = arith.mulf %get3A_716, %get3A_740 : vector<16xf32>
        %add3A_742 = arith.addf %add3A_682, %mul3A_741 : vector<16xf32>
        %mul3A_743 = arith.constant 5 : i32
        %mul3A_744 = arith.muli %mul3A_604, %mul3A_743 : i32
        %add3A_745 = arith.constant 32 : i32
        %add3A_746 = arith.addi %mul3A_744, %add3A_745 : i32
        %add3A_747 = arith.addi %add3A_746, %add3A_653 : i32
        %get3A_748 = arith.index_cast %add3A_747 : i32 to index
        %get3A_749 = arith.constant 16 : index
        %get3A_750 = tpu.vector_load %arg13[%get3A_748, %get3A_749] {strides = array<i32>} : memref<480x128xf32, #tpu.memory_space<vmem>>, vector<16xf32>,
        %mul3A_751 = arith.mulf %get3A_716, %get3A_750 : vector<16xf32>
        %add3A_752 = arith.addf %add3A_692, %mul3A_751 : vector<16xf32>
        %mul3A_753 = arith.constant 5 : i32
        %mul3A_754 = arith.muli %mul3A_604, %mul3A_753 : i32
        %add3A_755 = arith.constant 48 : i32
        %add3A_756 = arith.addi %mul3A_754, %add3A_755 : i32
        %add3A_757 = arith.addi %add3A_756, %add3A_653 : i32
        %get3A_758 = arith.index_cast %add3A_757 : i32 to index
        %get3A_759 = arith.constant 16 : index
        %get3A_760 = tpu.vector_load %arg13[%get3A_758, %get3A_759] {strides = array<i32>} : memref<480x128xf32, #tpu.memory_space<vmem>>, vector<16xf32>,
        %mul3A_761 = arith.mulf %get3A_716, %get3A_760 : vector<16xf32>
        %add3A_762 = arith.addf %add3A_702, %mul3A_761 : vector<16xf32>
        %mul3A_763 = arith.constant 5 : i32
        %mul3A_764 = arith.muli %mul3A_604, %mul3A_763 : i32
        %add3A_765 = arith.constant 64 : i32
        %add3A_766 = arith.addi %mul3A_764, %add3A_765 : i32
        %add3A_767 = arith.addi %add3A_766, %add3A_653 : i32
        %get3A_768 = arith.index_cast %add3A_767 : i32 to index
        %get3A_769 = arith.constant 16 : index
        %get3A_770 = tpu.vector_load %arg13[%get3A_768, %get3A_769] {strides = array<i32>} : memref<480x128xf32, #tpu.memory_space<vmem>>, vector<16xf32>,
        %mul3A_771 = arith.mulf %get3A_716, %get3A_770 : vector<16xf32>
        %add3A_772 = arith.addf %add3A_712, %mul3A_771 : vector<16xf32>
        %add3A_773 = arith.addi %mul3A_604, %add3A_653 : i32
        %get3A_774 = arith.index_cast %add3A_773 : i32 to index
        %get3A_775 = arith.constant 32 : index
        %get3A_776 = tpu.vector_load %arg11[%get3A_774, %get3A_775] {strides = array<i32>} : memref<96x128xf32, #tpu.memory_space<vmem>>, vector<16xf32>,
        %add3A_777 = arith.addi %mul3A_604, %add3A_653 : i32
        %get3A_778 = arith.index_cast %add3A_777 : i32 to index
        %get3A_779 = arith.constant 32 : index
        %get3A_780 = tpu.vector_load %arg12[%get3A_778, %get3A_779] {strides = array<i32>} : memref<96x128xf32, #tpu.memory_space<vmem>>, vector<16xf32>,
        %mul3A_781 = arith.mulf %get3A_776, %get3A_780 : vector<16xf32>
        %add3A_782 = arith.addf %add3A_722, %mul3A_781 : vector<16xf32>
        %mul3A_783 = arith.constant 5 : i32
        %mul3A_784 = arith.muli %mul3A_604, %mul3A_783 : i32
        %add3A_785 = arith.constant 0 : i32
        %add3A_786 = arith.addi %mul3A_784, %add3A_785 : i32
        %add3A_787 = arith.addi %add3A_786, %add3A_653 : i32
        %get3A_788 = arith.index_cast %add3A_787 : i32 to index
        %get3A_789 = arith.constant 32 : index
        %get3A_790 = tpu.vector_load %arg13[%get3A_788, %get3A_789] {strides = array<i32>} : memref<480x128xf32, #tpu.memory_space<vmem>>, vector<16xf32>,
        %mul3A_791 = arith.mulf %get3A_776, %get3A_790 : vector<16xf32>
        %add3A_792 = arith.addf %add3A_732, %mul3A_791 : vector<16xf32>
        %mul3A_793 = arith.constant 5 : i32
        %mul3A_794 = arith.muli %mul3A_604, %mul3A_793 : i32
        %add3A_795 = arith.constant 16 : i32
        %add3A_796 = arith.addi %mul3A_794, %add3A_795 : i32
        %add3A_797 = arith.addi %add3A_796, %add3A_653 : i32
        %get3A_798 = arith.index_cast %add3A_797 : i32 to index
        %get3A_799 = arith.constant 32 : index
        %get3A_800 = tpu.vector_load %arg13[%get3A_798, %get3A_799] {strides = array<i32>} : memref<480x128xf32, #tpu.memory_space<vmem>>, vector<16xf32>,
        %mul3A_801 = arith.mulf %get3A_776, %get3A_800 : vector<16xf32>
        %add3A_802 = arith.addf %add3A_742, %mul3A_801 : vector<16xf32>
        %mul3A_803 = arith.constant 5 : i32
        %mul3A_804 = arith.muli %mul3A_604, %mul3A_803 : i32
        %add3A_805 = arith.constant 32 : i32
        %add3A_806 = arith.addi %mul3A_804, %add3A_805 : i32
        %add3A_807 = arith.addi %add3A_806, %add3A_653 : i32
        %get3A_808 = arith.index_cast %add3A_807 : i32 to index
        %get3A_809 = arith.constant 32 : index
        %get3A_810 = tpu.vector_load %arg13[%get3A_808, %get3A_809] {strides = array<i32>} : memref<480x128xf32, #tpu.memory_space<vmem>>, vector<16xf32>,
        %mul3A_811 = arith.mulf %get3A_776, %get3A_810 : vector<16xf32>
        %add3A_812 = arith.addf %add3A_752, %mul3A_811 : vector<16xf32>
        %mul3A_813 = arith.constant 5 : i32
        %mul3A_814 = arith.muli %mul3A_604, %mul3A_813 : i32
        %add3A_815 = arith.constant 48 : i32
        %add3A_816 = arith.addi %mul3A_814, %add3A_815 : i32
        %add3A_817 = arith.addi %add3A_816, %add3A_653 : i32
        %get3A_818 = arith.index_cast %add3A_817 : i32 to index
        %get3A_819 = arith.constant 32 : index
        %get3A_820 = tpu.vector_load %arg13[%get3A_818, %get3A_819] {strides = array<i32>} : memref<480x128xf32, #tpu.memory_space<vmem>>, vector<16xf32>,
        %mul3A_821 = arith.mulf %get3A_776, %get3A_820 : vector<16xf32>
        %add3A_822 = arith.addf %add3A_762, %mul3A_821 : vector<16xf32>
        %mul3A_823 = arith.constant 5 : i32
        %mul3A_824 = arith.muli %mul3A_604, %mul3A_823 : i32
        %add3A_825 = arith.constant 64 : i32
        %add3A_826 = arith.addi %mul3A_824, %add3A_825 : i32
        %add3A_827 = arith.addi %add3A_826, %add3A_653 : i32
        %get3A_828 = arith.index_cast %add3A_827 : i32 to index
        %get3A_829 = arith.constant 32 : index
        %get3A_830 = tpu.vector_load %arg13[%get3A_828, %get3A_829] {strides = array<i32>} : memref<480x128xf32, #tpu.memory_space<vmem>>, vector<16xf32>,
        %mul3A_831 = arith.mulf %get3A_776, %get3A_830 : vector<16xf32>
        %add3A_832 = arith.addf %add3A_772, %mul3A_831 : vector<16xf32>
        %add3A_833 = arith.addi %mul3A_604, %add3A_653 : i32
        %get3A_834 = arith.index_cast %add3A_833 : i32 to index
        %get3A_835 = arith.constant 48 : index
        %get3A_836 = tpu.vector_load %arg11[%get3A_834, %get3A_835] {strides = array<i32>} : memref<96x128xf32, #tpu.memory_space<vmem>>, vector<16xf32>,
        %add3A_837 = arith.addi %mul3A_604, %add3A_653 : i32
        %get3A_838 = arith.index_cast %add3A_837 : i32 to index
        %get3A_839 = arith.constant 48 : index
        %get3A_840 = tpu.vector_load %arg12[%get3A_838, %get3A_839] {strides = array<i32>} : memref<96x128xf32, #tpu.memory_space<vmem>>, vector<16xf32>,
        %mul3A_841 = arith.mulf %get3A_836, %get3A_840 : vector<16xf32>
        %add3A_842 = arith.addf %add3A_782, %mul3A_841 : vector<16xf32>
        %mul3A_843 = arith.constant 5 : i32
        %mul3A_844 = arith.muli %mul3A_604, %mul3A_843 : i32
        %add3A_845 = arith.constant 0 : i32
        %add3A_846 = arith.addi %mul3A_844, %add3A_845 : i32
        %add3A_847 = arith.addi %add3A_846, %add3A_653 : i32
        %get3A_848 = arith.index_cast %add3A_847 : i32 to index
        %get3A_849 = arith.constant 48 : index
        %get3A_850 = tpu.vector_load %arg13[%get3A_848, %get3A_849] {strides = array<i32>} : memref<480x128xf32, #tpu.memory_space<vmem>>, vector<16xf32>,
        %mul3A_851 = arith.mulf %get3A_836, %get3A_850 : vector<16xf32>
        %add3A_852 = arith.addf %add3A_792, %mul3A_851 : vector<16xf32>
        %mul3A_853 = arith.constant 5 : i32
        %mul3A_854 = arith.muli %mul3A_604, %mul3A_853 : i32
        %add3A_855 = arith.constant 16 : i32
        %add3A_856 = arith.addi %mul3A_854, %add3A_855 : i32
        %add3A_857 = arith.addi %add3A_856, %add3A_653 : i32
        %get3A_858 = arith.index_cast %add3A_857 : i32 to index
        %get3A_859 = arith.constant 48 : index
        %get3A_860 = tpu.vector_load %arg13[%get3A_858, %get3A_859] {strides = array<i32>} : memref<480x128xf32, #tpu.memory_space<vmem>>, vector<16xf32>,
        %mul3A_861 = arith.mulf %get3A_836, %get3A_860 : vector<16xf32>
        %add3A_862 = arith.addf %add3A_802, %mul3A_861 : vector<16xf32>
        %mul3A_863 = arith.constant 5 : i32
        %mul3A_864 = arith.muli %mul3A_604, %mul3A_863 : i32
        %add3A_865 = arith.constant 32 : i32
        %add3A_866 = arith.addi %mul3A_864, %add3A_865 : i32
        %add3A_867 = arith.addi %add3A_866, %add3A_653 : i32
        %get3A_868 = arith.index_cast %add3A_867 : i32 to index
        %get3A_869 = arith.constant 48 : index
        %get3A_870 = tpu.vector_load %arg13[%get3A_868, %get3A_869] {strides = array<i32>} : memref<480x128xf32, #tpu.memory_space<vmem>>, vector<16xf32>,
        %mul3A_871 = arith.mulf %get3A_836, %get3A_870 : vector<16xf32>
        %add3A_872 = arith.addf %add3A_812, %mul3A_871 : vector<16xf32>
        %mul3A_873 = arith.constant 5 : i32
        %mul3A_874 = arith.muli %mul3A_604, %mul3A_873 : i32
        %add3A_875 = arith.constant 48 : i32
        %add3A_876 = arith.addi %mul3A_874, %add3A_875 : i32
        %add3A_877 = arith.addi %add3A_876, %add3A_653 : i32
        %get3A_878 = arith.index_cast %add3A_877 : i32 to index
        %get3A_879 = arith.constant 48 : index
        %get3A_880 = tpu.vector_load %arg13[%get3A_878, %get3A_879] {strides = array<i32>} : memref<480x128xf32, #tpu.memory_space<vmem>>, vector<16xf32>,
        %mul3A_881 = arith.mulf %get3A_836, %get3A_880 : vector<16xf32>
        %add3A_882 = arith.addf %add3A_822, %mul3A_881 : vector<16xf32>
        %mul3A_883 = arith.constant 5 : i32
        %mul3A_884 = arith.muli %mul3A_604, %mul3A_883 : i32
        %add3A_885 = arith.constant 64 : i32
        %add3A_886 = arith.addi %mul3A_884, %add3A_885 : i32
        %add3A_887 = arith.addi %add3A_886, %add3A_653 : i32
        %get3A_888 = arith.index_cast %add3A_887 : i32 to index
        %get3A_889 = arith.constant 48 : index
        %get3A_890 = tpu.vector_load %arg13[%get3A_888, %get3A_889] {strides = array<i32>} : memref<480x128xf32, #tpu.memory_space<vmem>>, vector<16xf32>,
        %mul3A_891 = arith.mulf %get3A_836, %get3A_890 : vector<16xf32>
        %add3A_892 = arith.addf %add3A_832, %mul3A_891 : vector<16xf32>
        %add3A_893 = arith.addi %mul3A_604, %add3A_653 : i32
        %get3A_894 = arith.index_cast %add3A_893 : i32 to index
        %get3A_895 = arith.constant 64 : index
        %get3A_896 = tpu.vector_load %arg11[%get3A_894, %get3A_895] {strides = array<i32>} : memref<96x128xf32, #tpu.memory_space<vmem>>, vector<16xf32>,
        %add3A_897 = arith.addi %mul3A_604, %add3A_653 : i32
        %get3A_898 = arith.index_cast %add3A_897 : i32 to index
        %get3A_899 = arith.constant 64 : index
        %get3A_900 = tpu.vector_load %arg12[%get3A_898, %get3A_899] {strides = array<i32>} : memref<96x128xf32, #tpu.memory_space<vmem>>, vector<16xf32>,
        %mul3A_901 = arith.mulf %get3A_896, %get3A_900 : vector<16xf32>
        %add3A_902 = arith.addf %add3A_842, %mul3A_901 : vector<16xf32>
        %mul3A_903 = arith.constant 5 : i32
        %mul3A_904 = arith.muli %mul3A_604, %mul3A_903 : i32
        %add3A_905 = arith.constant 0 : i32
        %add3A_906 = arith.addi %mul3A_904, %add3A_905 : i32
        %add3A_907 = arith.addi %add3A_906, %add3A_653 : i32
        %get3A_908 = arith.index_cast %add3A_907 : i32 to index
        %get3A_909 = arith.constant 64 : index
        %get3A_910 = tpu.vector_load %arg13[%get3A_908, %get3A_909] {strides = array<i32>} : memref<480x128xf32, #tpu.memory_space<vmem>>, vector<16xf32>,
        %mul3A_911 = arith.mulf %get3A_896, %get3A_910 : vector<16xf32>
        %add3A_912 = arith.addf %add3A_852, %mul3A_911 : vector<16xf32>
        %mul3A_913 = arith.constant 5 : i32
        %mul3A_914 = arith.muli %mul3A_604, %mul3A_913 : i32
        %add3A_915 = arith.constant 16 : i32
        %add3A_916 = arith.addi %mul3A_914, %add3A_915 : i32
        %add3A_917 = arith.addi %add3A_916, %add3A_653 : i32
        %get3A_918 = arith.index_cast %add3A_917 : i32 to index
        %get3A_919 = arith.constant 64 : index
        %get3A_920 = tpu.vector_load %arg13[%get3A_918, %get3A_919] {strides = array<i32>} : memref<480x128xf32, #tpu.memory_space<vmem>>, vector<16xf32>,
        %mul3A_921 = arith.mulf %get3A_896, %get3A_920 : vector<16xf32>
        %add3A_922 = arith.addf %add3A_862, %mul3A_921 : vector<16xf32>
        %mul3A_923 = arith.constant 5 : i32
        %mul3A_924 = arith.muli %mul3A_604, %mul3A_923 : i32
        %add3A_925 = arith.constant 32 : i32
        %add3A_926 = arith.addi %mul3A_924, %add3A_925 : i32
        %add3A_927 = arith.addi %add3A_926, %add3A_653 : i32
        %get3A_928 = arith.index_cast %add3A_927 : i32 to index
        %get3A_929 = arith.constant 64 : index
        %get3A_930 = tpu.vector_load %arg13[%get3A_928, %get3A_929] {strides = array<i32>} : memref<480x128xf32, #tpu.memory_space<vmem>>, vector<16xf32>,
        %mul3A_931 = arith.mulf %get3A_896, %get3A_930 : vector<16xf32>
        %add3A_932 = arith.addf %add3A_872, %mul3A_931 : vector<16xf32>
        %mul3A_933 = arith.constant 5 : i32
        %mul3A_934 = arith.muli %mul3A_604, %mul3A_933 : i32
        %add3A_935 = arith.constant 48 : i32
        %add3A_936 = arith.addi %mul3A_934, %add3A_935 : i32
        %add3A_937 = arith.addi %add3A_936, %add3A_653 : i32
        %get3A_938 = arith.index_cast %add3A_937 : i32 to index
        %get3A_939 = arith.constant 64 : index
        %get3A_940 = tpu.vector_load %arg13[%get3A_938, %get3A_939] {strides = array<i32>} : memref<480x128xf32, #tpu.memory_space<vmem>>, vector<16xf32>,
        %mul3A_941 = arith.mulf %get3A_896, %get3A_940 : vector<16xf32>
        %add3A_942 = arith.addf %add3A_882, %mul3A_941 : vector<16xf32>
        %mul3A_943 = arith.constant 5 : i32
        %mul3A_944 = arith.muli %mul3A_604, %mul3A_943 : i32
        %add3A_945 = arith.constant 64 : i32
        %add3A_946 = arith.addi %mul3A_944, %add3A_945 : i32
        %add3A_947 = arith.addi %add3A_946, %add3A_653 : i32
        %get3A_948 = arith.index_cast %add3A_947 : i32 to index
        %get3A_949 = arith.constant 64 : index
        %get3A_950 = tpu.vector_load %arg13[%get3A_948, %get3A_949] {strides = array<i32>} : memref<480x128xf32, #tpu.memory_space<vmem>>, vector<16xf32>,
        %mul3A_951 = arith.mulf %get3A_896, %get3A_950 : vector<16xf32>
        %add3A_952 = arith.addf %add3A_892, %mul3A_951 : vector<16xf32>
        %add3A_953 = arith.addi %mul3A_604, %add3A_653 : i32
        %get3A_954 = arith.index_cast %add3A_953 : i32 to index
        %get3A_955 = arith.constant 80 : index
        %get3A_956 = tpu.vector_load %arg11[%get3A_954, %get3A_955] {strides = array<i32>} : memref<96x128xf32, #tpu.memory_space<vmem>>, vector<16xf32>,
        %add3A_957 = arith.addi %mul3A_604, %add3A_653 : i32
        %get3A_958 = arith.index_cast %add3A_957 : i32 to index
        %get3A_959 = arith.constant 80 : index
        %get3A_960 = tpu.vector_load %arg12[%get3A_958, %get3A_959] {strides = array<i32>} : memref<96x128xf32, #tpu.memory_space<vmem>>, vector<16xf32>,
        %mul3A_961 = arith.mulf %get3A_956, %get3A_960 : vector<16xf32>
        %add3A_962 = arith.addf %add3A_902, %mul3A_961 : vector<16xf32>
        %mul3A_963 = arith.constant 5 : i32
        %mul3A_964 = arith.muli %mul3A_604, %mul3A_963 : i32
        %add3A_965 = arith.constant 0 : i32
        %add3A_966 = arith.addi %mul3A_964, %add3A_965 : i32
        %add3A_967 = arith.addi %add3A_966, %add3A_653 : i32
        %get3A_968 = arith.index_cast %add3A_967 : i32 to index
        %get3A_969 = arith.constant 80 : index
        %get3A_970 = tpu.vector_load %arg13[%get3A_968, %get3A_969] {strides = array<i32>} : memref<480x128xf32, #tpu.memory_space<vmem>>, vector<16xf32>,
        %mul3A_971 = arith.mulf %get3A_956, %get3A_970 : vector<16xf32>
        %add3A_972 = arith.addf %add3A_912, %mul3A_971 : vector<16xf32>
        %mul3A_973 = arith.constant 5 : i32
        %mul3A_974 = arith.muli %mul3A_604, %mul3A_973 : i32
        %add3A_975 = arith.constant 16 : i32
        %add3A_976 = arith.addi %mul3A_974, %add3A_975 : i32
        %add3A_977 = arith.addi %add3A_976, %add3A_653 : i32
        %get3A_978 = arith.index_cast %add3A_977 : i32 to index
        %get3A_979 = arith.constant 80 : index
        %get3A_980 = tpu.vector_load %arg13[%get3A_978, %get3A_979] {strides = array<i32>} : memref<480x128xf32, #tpu.memory_space<vmem>>, vector<16xf32>,
        %mul3A_981 = arith.mulf %get3A_956, %get3A_980 : vector<16xf32>
        %add3A_982 = arith.addf %add3A_922, %mul3A_981 : vector<16xf32>
        %mul3A_983 = arith.constant 5 : i32
        %mul3A_984 = arith.muli %mul3A_604, %mul3A_983 : i32
        %add3A_985 = arith.constant 32 : i32
        %add3A_986 = arith.addi %mul3A_984, %add3A_985 : i32
        %add3A_987 = arith.addi %add3A_986, %add3A_653 : i32
        %get3A_988 = arith.index_cast %add3A_987 : i32 to index
        %get3A_989 = arith.constant 80 : index
        %get3A_990 = tpu.vector_load %arg13[%get3A_988, %get3A_989] {strides = array<i32>} : memref<480x128xf32, #tpu.memory_space<vmem>>, vector<16xf32>,
        %mul3A_991 = arith.mulf %get3A_956, %get3A_990 : vector<16xf32>
        %add3A_992 = arith.addf %add3A_932, %mul3A_991 : vector<16xf32>
        %mul3A_993 = arith.constant 5 : i32
        %mul3A_994 = arith.muli %mul3A_604, %mul3A_993 : i32
        %add3A_995 = arith.constant 48 : i32
        %add3A_996 = arith.addi %mul3A_994, %add3A_995 : i32
        %add3A_997 = arith.addi %add3A_996, %add3A_653 : i32
        %get3A_998 = arith.index_cast %add3A_997 : i32 to index
        %get3A_999 = arith.constant 80 : index
        %get3A_1000 = tpu.vector_load %arg13[%get3A_998, %get3A_999] {strides = array<i32>} : memref<480x128xf32, #tpu.memory_space<vmem>>, vector<16xf32>,
        %mul3A_1001 = arith.mulf %get3A_956, %get3A_1000 : vector<16xf32>
        %add3A_1002 = arith.addf %add3A_942, %mul3A_1001 : vector<16xf32>
        %mul3A_1003 = arith.constant 5 : i32
        %mul3A_1004 = arith.muli %mul3A_604, %mul3A_1003 : i32
        %add3A_1005 = arith.constant 64 : i32
        %add3A_1006 = arith.addi %mul3A_1004, %add3A_1005 : i32
        %add3A_1007 = arith.addi %add3A_1006, %add3A_653 : i32
        %get3A_1008 = arith.index_cast %add3A_1007 : i32 to index
        %get3A_1009 = arith.constant 80 : index
        %get3A_1010 = tpu.vector_load %arg13[%get3A_1008, %get3A_1009] {strides = array<i32>} : memref<480x128xf32, #tpu.memory_space<vmem>>, vector<16xf32>,
        %mul3A_1011 = arith.mulf %get3A_956, %get3A_1010 : vector<16xf32>
        %add3A_1012 = arith.addf %add3A_952, %mul3A_1011 : vector<16xf32>
        %add3A_1013 = arith.addi %mul3A_604, %add3A_653 : i32
        %get3A_1014 = arith.index_cast %add3A_1013 : i32 to index
        %get3A_1015 = arith.constant 96 : index
        %get3A_1016 = tpu.vector_load %arg11[%get3A_1014, %get3A_1015] {strides = array<i32>} : memref<96x128xf32, #tpu.memory_space<vmem>>, vector<16xf32>,
        %add3A_1017 = arith.addi %mul3A_604, %add3A_653 : i32
        %get3A_1018 = arith.index_cast %add3A_1017 : i32 to index
        %get3A_1019 = arith.constant 96 : index
        %get3A_1020 = tpu.vector_load %arg12[%get3A_1018, %get3A_1019] {strides = array<i32>} : memref<96x128xf32, #tpu.memory_space<vmem>>, vector<16xf32>,
        %mul3A_1021 = arith.mulf %get3A_1016, %get3A_1020 : vector<16xf32>
        %add3A_1022 = arith.addf %add3A_962, %mul3A_1021 : vector<16xf32>
        %mul3A_1023 = arith.constant 5 : i32
        %mul3A_1024 = arith.muli %mul3A_604, %mul3A_1023 : i32
        %add3A_1025 = arith.constant 0 : i32
        %add3A_1026 = arith.addi %mul3A_1024, %add3A_1025 : i32
        %add3A_1027 = arith.addi %add3A_1026, %add3A_653 : i32
        %get3A_1028 = arith.index_cast %add3A_1027 : i32 to index
        %get3A_1029 = arith.constant 96 : index
        %get3A_1030 = tpu.vector_load %arg13[%get3A_1028, %get3A_1029] {strides = array<i32>} : memref<480x128xf32, #tpu.memory_space<vmem>>, vector<16xf32>,
        %mul3A_1031 = arith.mulf %get3A_1016, %get3A_1030 : vector<16xf32>
        %add3A_1032 = arith.addf %add3A_972, %mul3A_1031 : vector<16xf32>
        %mul3A_1033 = arith.constant 5 : i32
        %mul3A_1034 = arith.muli %mul3A_604, %mul3A_1033 : i32
        %add3A_1035 = arith.constant 16 : i32
        %add3A_1036 = arith.addi %mul3A_1034, %add3A_1035 : i32
        %add3A_1037 = arith.addi %add3A_1036, %add3A_653 : i32
        %get3A_1038 = arith.index_cast %add3A_1037 : i32 to index
        %get3A_1039 = arith.constant 96 : index
        %get3A_1040 = tpu.vector_load %arg13[%get3A_1038, %get3A_1039] {strides = array<i32>} : memref<480x128xf32, #tpu.memory_space<vmem>>, vector<16xf32>,
        %mul3A_1041 = arith.mulf %get3A_1016, %get3A_1040 : vector<16xf32>
        %add3A_1042 = arith.addf %add3A_982, %mul3A_1041 : vector<16xf32>
        %mul3A_1043 = arith.constant 5 : i32
        %mul3A_1044 = arith.muli %mul3A_604, %mul3A_1043 : i32
        %add3A_1045 = arith.constant 32 : i32
        %add3A_1046 = arith.addi %mul3A_1044, %add3A_1045 : i32
        %add3A_1047 = arith.addi %add3A_1046, %add3A_653 : i32
        %get3A_1048 = arith.index_cast %add3A_1047 : i32 to index
        %get3A_1049 = arith.constant 96 : index
        %get3A_1050 = tpu.vector_load %arg13[%get3A_1048, %get3A_1049] {strides = array<i32>} : memref<480x128xf32, #tpu.memory_space<vmem>>, vector<16xf32>,
        %mul3A_1051 = arith.mulf %get3A_1016, %get3A_1050 : vector<16xf32>
        %add3A_1052 = arith.addf %add3A_992, %mul3A_1051 : vector<16xf32>
        %mul3A_1053 = arith.constant 5 : i32
        %mul3A_1054 = arith.muli %mul3A_604, %mul3A_1053 : i32
        %add3A_1055 = arith.constant 48 : i32
        %add3A_1056 = arith.addi %mul3A_1054, %add3A_1055 : i32
        %add3A_1057 = arith.addi %add3A_1056, %add3A_653 : i32
        %get3A_1058 = arith.index_cast %add3A_1057 : i32 to index
        %get3A_1059 = arith.constant 96 : index
        %get3A_1060 = tpu.vector_load %arg13[%get3A_1058, %get3A_1059] {strides = array<i32>} : memref<480x128xf32, #tpu.memory_space<vmem>>, vector<16xf32>,
        %mul3A_1061 = arith.mulf %get3A_1016, %get3A_1060 : vector<16xf32>
        %add3A_1062 = arith.addf %add3A_1002, %mul3A_1061 : vector<16xf32>
        %mul3A_1063 = arith.constant 5 : i32
        %mul3A_1064 = arith.muli %mul3A_604, %mul3A_1063 : i32
        %add3A_1065 = arith.constant 64 : i32
        %add3A_1066 = arith.addi %mul3A_1064, %add3A_1065 : i32
        %add3A_1067 = arith.addi %add3A_1066, %add3A_653 : i32
        %get3A_1068 = arith.index_cast %add3A_1067 : i32 to index
        %get3A_1069 = arith.constant 96 : index
        %get3A_1070 = tpu.vector_load %arg13[%get3A_1068, %get3A_1069] {strides = array<i32>} : memref<480x128xf32, #tpu.memory_space<vmem>>, vector<16xf32>,
        %mul3A_1071 = arith.mulf %get3A_1016, %get3A_1070 : vector<16xf32>
        %add3A_1072 = arith.addf %add3A_1012, %mul3A_1071 : vector<16xf32>
        %add3A_1073 = arith.addi %mul3A_604, %add3A_653 : i32
        %get3A_1074 = arith.index_cast %add3A_1073 : i32 to index
        %get3A_1075 = arith.constant 112 : index
        %get3A_1076 = tpu.vector_load %arg11[%get3A_1074, %get3A_1075] {strides = array<i32>} : memref<96x128xf32, #tpu.memory_space<vmem>>, vector<16xf32>,
        %add3A_1077 = arith.addi %mul3A_604, %add3A_653 : i32
        %get3A_1078 = arith.index_cast %add3A_1077 : i32 to index
        %get3A_1079 = arith.constant 112 : index
        %get3A_1080 = tpu.vector_load %arg12[%get3A_1078, %get3A_1079] {strides = array<i32>} : memref<96x128xf32, #tpu.memory_space<vmem>>, vector<16xf32>,
        %mul3A_1081 = arith.mulf %get3A_1076, %get3A_1080 : vector<16xf32>
        %add3A_1082 = arith.addf %add3A_1022, %mul3A_1081 : vector<16xf32>
        %mul3A_1083 = arith.constant 5 : i32
        %mul3A_1084 = arith.muli %mul3A_604, %mul3A_1083 : i32
        %add3A_1085 = arith.constant 0 : i32
        %add3A_1086 = arith.addi %mul3A_1084, %add3A_1085 : i32
        %add3A_1087 = arith.addi %add3A_1086, %add3A_653 : i32
        %get3A_1088 = arith.index_cast %add3A_1087 : i32 to index
        %get3A_1089 = arith.constant 112 : index
        %get3A_1090 = tpu.vector_load %arg13[%get3A_1088, %get3A_1089] {strides = array<i32>} : memref<480x128xf32, #tpu.memory_space<vmem>>, vector<16xf32>,
        %mul3A_1091 = arith.mulf %get3A_1076, %get3A_1090 : vector<16xf32>
        %add3A_1092 = arith.addf %add3A_1032, %mul3A_1091 : vector<16xf32>
        %mul3A_1093 = arith.constant 5 : i32
        %mul3A_1094 = arith.muli %mul3A_604, %mul3A_1093 : i32
        %add3A_1095 = arith.constant 16 : i32
        %add3A_1096 = arith.addi %mul3A_1094, %add3A_1095 : i32
        %add3A_1097 = arith.addi %add3A_1096, %add3A_653 : i32
        %get3A_1098 = arith.index_cast %add3A_1097 : i32 to index
        %get3A_1099 = arith.constant 112 : index
        %get3A_1100 = tpu.vector_load %arg13[%get3A_1098, %get3A_1099] {strides = array<i32>} : memref<480x128xf32, #tpu.memory_space<vmem>>, vector<16xf32>,
        %mul3A_1101 = arith.mulf %get3A_1076, %get3A_1100 : vector<16xf32>
        %add3A_1102 = arith.addf %add3A_1042, %mul3A_1101 : vector<16xf32>
        %mul3A_1103 = arith.constant 5 : i32
        %mul3A_1104 = arith.muli %mul3A_604, %mul3A_1103 : i32
        %add3A_1105 = arith.constant 32 : i32
        %add3A_1106 = arith.addi %mul3A_1104, %add3A_1105 : i32
        %add3A_1107 = arith.addi %add3A_1106, %add3A_653 : i32
        %get3A_1108 = arith.index_cast %add3A_1107 : i32 to index
        %get3A_1109 = arith.constant 112 : index
        %get3A_1110 = tpu.vector_load %arg13[%get3A_1108, %get3A_1109] {strides = array<i32>} : memref<480x128xf32, #tpu.memory_space<vmem>>, vector<16xf32>,
        %mul3A_1111 = arith.mulf %get3A_1076, %get3A_1110 : vector<16xf32>
        %add3A_1112 = arith.addf %add3A_1052, %mul3A_1111 : vector<16xf32>
        %mul3A_1113 = arith.constant 5 : i32
        %mul3A_1114 = arith.muli %mul3A_604, %mul3A_1113 : i32
        %add3A_1115 = arith.constant 48 : i32
        %add3A_1116 = arith.addi %mul3A_1114, %add3A_1115 : i32
        %add3A_1117 = arith.addi %add3A_1116, %add3A_653 : i32
        %get3A_1118 = arith.index_cast %add3A_1117 : i32 to index
        %get3A_1119 = arith.constant 112 : index
        %get3A_1120 = tpu.vector_load %arg13[%get3A_1118, %get3A_1119] {strides = array<i32>} : memref<480x128xf32, #tpu.memory_space<vmem>>, vector<16xf32>,
        %mul3A_1121 = arith.mulf %get3A_1076, %get3A_1120 : vector<16xf32>
        %add3A_1122 = arith.addf %add3A_1062, %mul3A_1121 : vector<16xf32>
        %mul3A_1123 = arith.constant 5 : i32
        %mul3A_1124 = arith.muli %mul3A_604, %mul3A_1123 : i32
        %add3A_1125 = arith.constant 64 : i32
        %add3A_1126 = arith.addi %mul3A_1124, %add3A_1125 : i32
        %add3A_1127 = arith.addi %add3A_1126, %add3A_653 : i32
        %get3A_1128 = arith.index_cast %add3A_1127 : i32 to index
        %get3A_1129 = arith.constant 112 : index
        %get3A_1130 = tpu.vector_load %arg13[%get3A_1128, %get3A_1129] {strides = array<i32>} : memref<480x128xf32, #tpu.memory_space<vmem>>, vector<16xf32>,
        %mul3A_1131 = arith.mulf %get3A_1076, %get3A_1130 : vector<16xf32>
        %add3A_1132 = arith.addf %add3A_1072, %mul3A_1131 : vector<16xf32>
        %eq3A = vector.broadcast %scan3A_644 : i32 to vector<16xi32>
        %eq3A_1133 = arith.cmpi eq, %iota3A, %eq3A : vector<16xi32>
        %reduce_sum3A = arith.constant true
        %reduce_sum3A_1134 = vector.broadcast %reduce_sum3A : i1 to vector<16xi1>
        %reduce_sum3A_1135 = tpu.scan <sum>, %add3A_1082 masked %reduce_sum3A_1134 : vector<16xf32>, vector<16xi1> -> vector<16xf32>
        %reduce_sum3A_1136 = vector.extract %reduce_sum3A_1135[15] : f32 from vector<16xf32>
        %broadcast_in_dim3A_1137 = vector.broadcast %reduce_sum3A_1136 : f32 to vector<16xf32>
        %select_n3A = arith.select %eq3A_1133, %broadcast_in_dim3A_1137, %scan3A_645 : vector<16xi1>, vector<16xf32>
        %reduce_sum3A_1138 = arith.constant true
        %reduce_sum3A_1139 = vector.broadcast %reduce_sum3A_1138 : i1 to vector<16xi1>
        %reduce_sum3A_1140 = tpu.scan <sum>, %add3A_1092 masked %reduce_sum3A_1139 : vector<16xf32>, vector<16xi1> -> vector<16xf32>
        %reduce_sum3A_1141 = vector.extract %reduce_sum3A_1140[15] : f32 from vector<16xf32>
        %broadcast_in_dim3A_1142 = vector.broadcast %reduce_sum3A_1141 : f32 to vector<16xf32>
        %select_n3A_1143 = arith.select %eq3A_1133, %broadcast_in_dim3A_1142, %scan3A_646 : vector<16xi1>, vector<16xf32>
        %reduce_sum3A_1144 = arith.constant true
        %reduce_sum3A_1145 = vector.broadcast %reduce_sum3A_1144 : i1 to vector<16xi1>
        %reduce_sum3A_1146 = tpu.scan <sum>, %add3A_1102 masked %reduce_sum3A_1145 : vector<16xf32>, vector<16xi1> -> vector<16xf32>
        %reduce_sum3A_1147 = vector.extract %reduce_sum3A_1146[15] : f32 from vector<16xf32>
        %broadcast_in_dim3A_1148 = vector.broadcast %reduce_sum3A_1147 : f32 to vector<16xf32>
        %select_n3A_1149 = arith.select %eq3A_1133, %broadcast_in_dim3A_1148, %scan3A_647 : vector<16xi1>, vector<16xf32>
        %reduce_sum3A_1150 = arith.constant true
        %reduce_sum3A_1151 = vector.broadcast %reduce_sum3A_1150 : i1 to vector<16xi1>
        %reduce_sum3A_1152 = tpu.scan <sum>, %add3A_1112 masked %reduce_sum3A_1151 : vector<16xf32>, vector<16xi1> -> vector<16xf32>
        %reduce_sum3A_1153 = vector.extract %reduce_sum3A_1152[15] : f32 from vector<16xf32>
        %broadcast_in_dim3A_1154 = vector.broadcast %reduce_sum3A_1153 : f32 to vector<16xf32>
        %select_n3A_1155 = arith.select %eq3A_1133, %broadcast_in_dim3A_1154, %scan3A_648 : vector<16xi1>, vector<16xf32>
        %reduce_sum3A_1156 = arith.constant true
        %reduce_sum3A_1157 = vector.broadcast %reduce_sum3A_1156 : i1 to vector<16xi1>
        %reduce_sum3A_1158 = tpu.scan <sum>, %add3A_1122 masked %reduce_sum3A_1157 : vector<16xf32>, vector<16xi1> -> vector<16xf32>
        %reduce_sum3A_1159 = vector.extract %reduce_sum3A_1158[15] : f32 from vector<16xf32>
        %broadcast_in_dim3A_1160 = vector.broadcast %reduce_sum3A_1159 : f32 to vector<16xf32>
        %select_n3A_1161 = arith.select %eq3A_1133, %broadcast_in_dim3A_1160, %scan3A_649 : vector<16xi1>, vector<16xf32>
        %reduce_sum3A_1162 = arith.constant true
        %reduce_sum3A_1163 = vector.broadcast %reduce_sum3A_1162 : i1 to vector<16xi1>
        %reduce_sum3A_1164 = tpu.scan <sum>, %add3A_1132 masked %reduce_sum3A_1163 : vector<16xf32>, vector<16xi1> -> vector<16xf32>
        %reduce_sum3A_1165 = vector.extract %reduce_sum3A_1164[15] : f32 from vector<16xf32>
        %broadcast_in_dim3A_1166 = vector.broadcast %reduce_sum3A_1165 : f32 to vector<16xf32>
        %select_n3A_1167 = arith.select %eq3A_1133, %broadcast_in_dim3A_1166, %scan3A_650 : vector<16xi1>, vector<16xf32>
        scf.yield %select_n3A, %select_n3A_1143, %select_n3A_1149, %select_n3A_1155, %select_n3A_1161, %select_n3A_1167 : vector<16xf32>, vector<16xf32>, vector<16xf32>, vector<16xf32>, vector<16xf32>, vector<16xf32>
      }
      %scan3A_614 = arith.constant 16 : i32
      %mul3A_615 = arith.constant 16 : i32
      %mul3A_616 = arith.muli %scan3A_608, %mul3A_615 : i32
      %add3A_617 = arith.addi %mul3A_606, %mul3A_616 : i32
      %swap3A = arith.constant 5 : i32
      %swap3A_618 = arith.index_cast %swap3A : i32 to index
      %swap3A_619 = arith.index_cast %add3A_617 : i32 to index
      %swap3A_620 = tpu.vector_load %arg14[%swap3A_618, %swap3A_619] {strides = array<i32>} : memref<6x512xf32, #tpu.memory_space<vmem>>, vector<16xf32>,
      tpu.vector_store %arg14[%swap3A_618, %swap3A_619], %scan3A_613#0 {strides = array<i32>} : memref<6x512xf32, #tpu.memory_space<vmem>>, vector<16xf32>,
      %swap3A_621 = arith.constant 0 : i32
      %swap3A_622 = arith.index_cast %swap3A_621 : i32 to index
      %swap3A_623 = arith.index_cast %add3A_617 : i32 to index
      %swap3A_624 = tpu.vector_load %arg14[%swap3A_622, %swap3A_623] {strides = array<i32>} : memref<6x512xf32, #tpu.memory_space<vmem>>, vector<16xf32>,
      tpu.vector_store %arg14[%swap3A_622, %swap3A_623], %scan3A_613#1 {strides = array<i32>} : memref<6x512xf32, #tpu.memory_space<vmem>>, vector<16xf32>,
      %swap3A_625 = arith.constant 1 : i32
      %swap3A_626 = arith.index_cast %swap3A_625 : i32 to index
      %swap3A_627 = arith.index_cast %add3A_617 : i32 to index
      %swap3A_628 = tpu.vector_load %arg14[%swap3A_626, %swap3A_627] {strides = array<i32>} : memref<6x512xf32, #tpu.memory_space<vmem>>, vector<16xf32>,
      tpu.vector_store %arg14[%swap3A_626, %swap3A_627], %scan3A_613#2 {strides = array<i32>} : memref<6x512xf32, #tpu.memory_space<vmem>>, vector<16xf32>,
      %swap3A_629 = arith.constant 2 : i32
      %swap3A_630 = arith.index_cast %swap3A_629 : i32 to index
      %swap3A_631 = arith.index_cast %add3A_617 : i32 to index
      %swap3A_632 = tpu.vector_load %arg14[%swap3A_630, %swap3A_631] {strides = array<i32>} : memref<6x512xf32, #tpu.memory_space<vmem>>, vector<16xf32>,
      tpu.vector_store %arg14[%swap3A_630, %swap3A_631], %scan3A_613#3 {strides = array<i32>} : memref<6x512xf32, #tpu.memory_space<vmem>>, vector<16xf32>,
      %swap3A_633 = arith.constant 3 : i32
      %swap3A_634 = arith.index_cast %swap3A_633 : i32 to index
      %swap3A_635 = arith.index_cast %add3A_617 : i32 to index
      %swap3A_636 = tpu.vector_load %arg14[%swap3A_634, %swap3A_635] {strides = array<i32>} : memref<6x512xf32, #tpu.memory_space<vmem>>, vector<16xf32>,
      tpu.vector_store %arg14[%swap3A_634, %swap3A_635], %scan3A_613#4 {strides = array<i32>} : memref<6x512xf32, #tpu.memory_space<vmem>>, vector<16xf32>,
      %swap3A_637 = arith.constant 4 : i32
      %swap3A_638 = arith.index_cast %swap3A_637 : i32 to index
      %swap3A_639 = arith.index_cast %add3A_617 : i32 to index
      %swap3A_640 = tpu.vector_load %arg14[%swap3A_638, %swap3A_639] {strides = array<i32>} : memref<6x512xf32, #tpu.memory_space<vmem>>, vector<16xf32>,
      tpu.vector_store %arg14[%swap3A_638, %swap3A_639], %scan3A_613#5 {strides = array<i32>} : memref<6x512xf32, #tpu.memory_space<vmem>>, vector<16xf32>,
      %scan3A_641 = arith.constant 0 : i32
      %scan3A_642 = arith.constant 1 : i32
      %scan3A_643 = arith.constant 0 : i32
      scf.yield %scan3A_643 : i32
    }
    %scan3A_497 = arith.constant 32 : i32
    "tpu.region"() ({
      %run_scoped3A = tpu.sem_alloc : memref<!tpu.dma_semaphore, #tpu.memory_space<semaphore_mem>>
      %dma_start3A_498 = arith.constant 0 : i32
      %dma_start3A_499 = tpu.memref_slice %arg7[%dma_start3A_498, %mul3A_2] : memref<6x16384xf32, #tpu.memory_space<hbm>> -> memref<6x512xf32, #tpu.memory_space<hbm>>
      %dma_start3A_500 = arith.constant 0 : i32
      %dma_start3A_501 = tpu.memref_slice %arg7[%dma_start3A_500, %mul3A_2] : memref<6x16384xf32, #tpu.memory_space<hbm>> -> memref<6x512xf32, #tpu.memory_space<hbm>>
      tpu.enqueue_dma source(%arg14 : memref<6x512xf32, #tpu.memory_space<vmem>>) target(%dma_start3A_501 : memref<6x512xf32, #tpu.memory_space<hbm>>) target_semaphore(%run_scoped3A : memref<!tpu.dma_semaphore, #tpu.memory_space<semaphore_mem>>)
      %dma_wait3A = arith.constant 0 : i32
      %dma_wait3A_502 = tpu.memref_slice %arg7[%dma_wait3A, %mul3A_2] : memref<6x16384xf32, #tpu.memory_space<hbm>> -> memref<6x512xf32, #tpu.memory_space<hbm>>
      %dma_wait3A_503 = arith.constant 0 : i32
      %dma_wait3A_504 = tpu.memref_slice %arg7[%dma_wait3A_503, %mul3A_2] : memref<6x16384xf32, #tpu.memory_space<hbm>> -> memref<6x512xf32, #tpu.memory_space<hbm>>
      tpu.wait_dma2 semaphore(%run_scoped3A : memref<!tpu.dma_semaphore, #tpu.memory_space<semaphore_mem>>) src(%arg14 : memref<6x512xf32, #tpu.memory_space<vmem>>) dst(%dma_wait3A_504 : memref<6x512xf32, #tpu.memory_space<hbm>>)
      tpu.yield
    }) : () -> ()
    return
  }
}

module attributes {stable_mosaic.version = 14 : i64} {
  func.func @_loss_body(%arg0: memref<6x16384xf32, #tpu.memory_space<vmem>>, %arg1: memref<1x1xf32, #tpu.memory_space<smem>>, %arg2: memref<1x1xf32, #tpu.memory_space<smem>>) attributes {dimension_semantics = [], scalar_prefetch = 0 : i64, scratch_operands = 0 : i64, tpu.core_type = #tpu.core_type<tc>} {
    %get3A = arith.constant 0 : index
    %get3A_0 = arith.constant 0 : index
    %get3A_1 = vector.load %arg0[%get3A, %get3A_0] : memref<6x16384xf32, #tpu.memory_space<vmem>>, vector<6x16384xf32>
    %slice3A = vector.extract_strided_slice %get3A_1 {offsets = [5, 0], sizes = [1, 16384], strides = [1, 1]} : vector<6x16384xf32> to vector<1x16384xf32>
    %min3A = arith.constant 0.000000e+00 : f32
    %min3A_2 = vector.broadcast %min3A : f32 to vector<1x16384xf32>
    %min3A_3 = arith.minimumf %slice3A, %min3A_2 : vector<1x16384xf32>
    %abs3A = math.absf %slice3A : vector<1x16384xf32>
    %neg3A = arith.constant 0.000000e+00 : f32
    %neg3A_4 = vector.broadcast %neg3A : f32 to vector<1x16384xf32>
    %neg3A_5 = arith.subf %neg3A_4, %abs3A : vector<1x16384xf32>
    %exp3A = math.exp %neg3A_5 : vector<1x16384xf32>
    %log1p3A = math.log1p %exp3A : vector<1x16384xf32>
    %sub3A = arith.subf %min3A_3, %log1p3A : vector<1x16384xf32>
    %reduce_sum3A = vector.shape_cast %sub3A : vector<1x16384xf32> to vector<1x1x16384xf32>
    %reduce_sum3A_6 = arith.constant dense<0.000000e+00> : vector<1xf32>
    %reduce_sum3A_7 = vector.multi_reduction <add>, %reduce_sum3A, %reduce_sum3A_6 [1, 2] : vector<1x1x16384xf32> to vector<1xf32>
    %reduce_sum3A_8 = vector.shape_cast %reduce_sum3A_7 : vector<1xf32> to vector<1x1x1xf32>
    %reduce_sum3A_9 = vector.extract %reduce_sum3A_8[0, 0, 0] : f32 from vector<1x1x1xf32>
    %neg3A_10 = arith.constant 0.000000e+00 : f32
    %neg3A_11 = arith.subf %neg3A_10, %reduce_sum3A_9 : f32
    %div3A = arith.constant 1.638400e+04 : f32
    %div3A_12 = arith.divf %neg3A_11, %div3A : f32
    %swap3A = arith.constant 0 : index
    %swap3A_13 = arith.constant 0 : index
    %swap3A_14 = memref.load %arg1[%swap3A, %swap3A_13] : memref<1x1xf32, #tpu.memory_space<smem>>
    memref.store %div3A_12, %arg1[%swap3A, %swap3A_13] : memref<1x1xf32, #tpu.memory_space<smem>>
    %slice3A_15 = vector.extract_strided_slice %get3A_1 {offsets = [0, 0], sizes = [5, 16384], strides = [1, 1]} : vector<6x16384xf32> to vector<5x16384xf32>
    %neg3A_16 = arith.constant 0.000000e+00 : f32
    %neg3A_17 = vector.broadcast %neg3A_16 : f32 to vector<5x16384xf32>
    %neg3A_18 = arith.subf %neg3A_17, %slice3A_15 : vector<5x16384xf32>
    %min3A_19 = arith.constant 0.000000e+00 : f32
    %min3A_20 = vector.broadcast %min3A_19 : f32 to vector<5x16384xf32>
    %min3A_21 = arith.minimumf %neg3A_18, %min3A_20 : vector<5x16384xf32>
    %abs3A_22 = math.absf %neg3A_18 : vector<5x16384xf32>
    %neg3A_23 = arith.constant 0.000000e+00 : f32
    %neg3A_24 = vector.broadcast %neg3A_23 : f32 to vector<5x16384xf32>
    %neg3A_25 = arith.subf %neg3A_24, %abs3A_22 : vector<5x16384xf32>
    %exp3A_26 = math.exp %neg3A_25 : vector<5x16384xf32>
    %log1p3A_27 = math.log1p %exp3A_26 : vector<5x16384xf32>
    %sub3A_28 = arith.subf %min3A_21, %log1p3A_27 : vector<5x16384xf32>
    %reduce_sum3A_29 = vector.shape_cast %sub3A_28 : vector<5x16384xf32> to vector<1x5x16384xf32>
    %reduce_sum3A_30 = arith.constant dense<0.000000e+00> : vector<1xf32>
    %reduce_sum3A_31 = vector.multi_reduction <add>, %reduce_sum3A_29, %reduce_sum3A_30 [1, 2] : vector<1x5x16384xf32> to vector<1xf32>
    %reduce_sum3A_32 = vector.shape_cast %reduce_sum3A_31 : vector<1xf32> to vector<1x1x1xf32>
    %reduce_sum3A_33 = vector.extract %reduce_sum3A_32[0, 0, 0] : f32 from vector<1x1x1xf32>
    %neg3A_34 = arith.constant 0.000000e+00 : f32
    %neg3A_35 = arith.subf %neg3A_34, %reduce_sum3A_33 : f32
    %div3A_36 = arith.constant 8.192000e+04 : f32
    %div3A_37 = arith.divf %neg3A_35, %div3A_36 : f32
    %swap3A_38 = arith.constant 0 : index
    %swap3A_39 = arith.constant 0 : index
    %swap3A_40 = memref.load %arg2[%swap3A_38, %swap3A_39] : memref<1x1xf32, #tpu.memory_space<smem>>
    memref.store %div3A_37, %arg2[%swap3A_38, %swap3A_39] : memref<1x1xf32, #tpu.memory_space<smem>>
    return
  }
}

</mosaic_0001>

<sc_bundles>
// kernel: kernel.4.cloned.1.call-start
scs
__scs_entry_jumppad:
0x0: {  	(pc) =	sbr.rel $0x88, $3  }
0x1: {  	(tag) =	ssettag $0x0;
	lr =	simm.s32 $0x1  }
0x2: {  	[smem:$0x3F9C] =	sst lr;
	_ =	strace $0xD0000000  }
0x3: {  	_ = 	snop  }
0x4: {  	_ = 	snop  }
0x5: {  	_ = 	snop  }
0x6: {  	_ = 	snop  }
0x7: {  	_ = 	snop  }
__scs_overlays_trampoline_lowered:
0x8: {  	[smem:$0x3FAB] =	sst s0  }
0x9: {  	[smem:$0x3FAC] =	sst s1  }
0xa: {  	[smem:$0x3FAD] =	sst s2  }
0xb: {  	[smem:$0x3FAE] =	sst s3  }
0xc: {  	[smem:$0x3FAF] =	sst s4  }
0xd: {  	[smem:$0x3FB0] =	sst s5  }
0xe: {  	[smem:$0x3FB1] =	sst s6  }
0xf: {  	[smem:$0x3FB2] =	sst s7  }
0x10: {  	[smem:$0x3FB3] =	sst s8  }
0x11: {  	[smem:$0x3FB4] =	sst s9;
	s0 =	simm.s32 @!p0 $0x0  }
0x12: {  	s1 =	sld [smem:$0x3F9A];
	s0 =	simm.s32 @p0 $0x1  }
0x13: {  	[smem:$0x3FB5] =	sst s0;
	s0 =	simm.s32 @!p1 $0x0  }
0x14: {  	s2 =	sld [smem:$0x3F99];
	s0 =	simm.s32 @p1 $0x1  }
0x15: {  	[smem:$0x3FB6] =	sst s0;
	s0 =	simm.s32 @!p2 $0x0  }
0x16: {  	s3 =	sld [smem:$0x3FDB];
	s0 =	simm.s32 @p2 $0x1  }
0x17: {  	s4 =	simm.s32 $0x1BF5;
	[smem:$0x3FB8] =	sst s0  }
0x18: {  	s0 =	sld [smem:$0x3F9B];
	_ =	swait.ge [sflag:s4], $0x0  }
0x19: {  	s7 =	sld [smem:$0x3F9C]  }
0x1a: {  	s8 =	sadd.s32 $0xFFFFE003, lr  }
0x1b: {  	s9 =	sadd.s32 $0xFFFFFEF7, lr;
	s5 =	simm.s32 $0xFFFFFFFF;
	p2 =	slt.u32 s8, $0xFFFFF086  }
0x1c: {  	p1 =	slt.u32 s9, $0xF7A;
	s5 =	simm.s32 @!p2 $0x0  }
0x1d: {  	s5 =	simm.s32 @p1 $0x1;
	p0 =	seq.s32 s7, s2  }
0x1e: {  	s7 =	smul.u32 @!p0 $0xF7A, s2;
	p2 =	seq.s32 @!p0 s5, $0x0  }
0x1f: {  	s9 =	smul.u32 $0xF7A, s1;
	s8 =	simm.s32 @!p0 $0x1BF5;
	p2 =	por !p2, p0  }
0x20: {  	[sflag:s8] =	ssyncset.s32 @!p0 $0xFFFFF086;
	s6 =	sadd.s32 @!p0 s3, s7;
	s7 =	simm.s32 @!p0 $0x108  }
0x21: {  	s3 =	sadd.s32 s3, s9;
	s6 =	sadd.s32 @!p0 $0x88, s6;
	s7 =	simm.s32 @p2 $0x1082  }
0x22: {  	[simem:s7], [sflag:s8] =	dma.local @!p0 [hbm:s6], $0xF7A  }
0x23: {  	s9 =	sor.u32 $0xD0000000, s2;
	s6 =	simm.s32 $0x108;
	_ =	swait.ge @!p0 [sflag:s8], $0x0  }
0x24: {  	s3 =	sadd.s32 $0x88, s3;
	s6 =	simm.s32 @!p1 $0x1082;
	[sflag:s4] =	ssyncset.s32 $0xFFFFF086  }
0x25: {  	[simem:s6], [sflag:s4] =	dma.local [hbm:s3], $0xF7A  }
0x26: {  	[smem:$0x3F9C] =	sst s1;
	(tag) =	ssettag s2;
	_ =	strace s9  }
0x27: {  	s1 =	sld [smem:$0x3FAC]  }
0x28: {  	s2 =	sld [smem:$0x3FAD]  }
0x29: {  	s4 =	sld [smem:$0x3FAF]  }
0x2a: {  	p0 =	seq.s32 s5, $0x0;
	s5 =	sld [smem:$0x3FB0]  }
0x2b: {  	s6 =	sld [smem:$0x3FB1]  }
0x2c: {  	s7 =	sld [smem:$0x3FB2]  }
0x2d: {  	s3 =	simm.s32 $0x108;
	s8 =	sld [smem:$0x3FB3]  }
0x2e: {  	s3 =	simm.s32 @!p0 $0x1082;
	s9 =	sld [smem:$0x3FB4]  }
0x2f: {  	lr =	sadd.s32 s0, s3;
	s0 =	sld [smem:$0x3FAB]  }
0x30: {  	s3 =	sld [smem:$0x3FAE]  }
0x31: {  	[smem:$0x3FB7] =	sst s10  }
0x32: {  	s10 =	sld [smem:$0x3FB5];
	_ =	sdelay $0x3  }
0x33: {  	p0 =	seq.s32 s10, $0x1;
	s10 =	sld [smem:$0x3FB7];
	_ =	sdelay $0x3  }
0x34: {  	[smem:$0x3FB7] =	sst s10  }
0x35: {  	s10 =	sld [smem:$0x3FB6];
	_ =	sdelay $0x3  }
0x36: {  	p1 =	seq.s32 s10, $0x1;
	s10 =	sld [smem:$0x3FB7];
	_ =	sdelay $0x3  }
0x37: {  	[smem:$0x3FB7] =	sst s10  }
0x38: {  	s10 =	sld [smem:$0x3FB8]  }
0x39: {  	_ = 	snop;
	(pc) =	sbr.ind lr, $3  }
0x3a: {  	_ = 	snop  }
0x3b: {  	_ = 	snop  }
0x3c: {  	p2 =	seq.s32 s10, $0x1;
	s10 =	sld [smem:$0x3FB7]  }
0x3d: {  	_ =	shalt  }
0x3e: {  	_ =	shalt  }
0x3f: {  	_ =	shalt  }
0x40: {  	_ =	shalt  }
0x41: {  	_ =	shalt  }
0x42: {  	_ =	shalt  }
0x43: {  	_ =	shalt  }
0x44: {  	_ =	shalt  }
0x45: {  	_ =	shalt  }
0x46: {  	_ =	shalt  }
0x47: {  	_ =	shalt  }
0x48: {  	_ =	shalt  }
0x49: {  	_ =	shalt  }
0x4a: {  	_ =	shalt  }
0x4b: {  	_ =	shalt  }
0x4c: {  	_ =	shalt  }
0x4d: {  	_ =	shalt  }
0x4e: {  	_ =	shalt  }
0x4f: {  	_ =	shalt  }
0x50: {  	_ =	shalt  }
0x51: {  	_ =	shalt  }
0x52: {  	_ =	shalt  }
0x53: {  	_ =	shalt  }
0x54: {  	_ =	shalt  }
0x55: {  	_ =	shalt  }
0x56: {  	_ =	shalt  }
0x57: {  	_ =	shalt  }
0x58: {  	_ =	shalt  }
0x59: {  	_ =	shalt  }
0x5a: {  	_ =	shalt  }
0x5b: {  	_ =	shalt  }
0x5c: {  	_ =	shalt  }
0x5d: {  	_ =	shalt  }
0x5e: {  	_ =	shalt  }
0x5f: {  	_ =	shalt  }
0x60: {  	_ =	shalt  }
0x61: {  	_ =	shalt  }
0x62: {  	_ =	shalt  }
0x63: {  	_ =	shalt  }
0x64: {  	_ =	shalt  }
0x65: {  	_ =	shalt  }
0x66: {  	_ =	shalt  }
0x67: {  	_ =	shalt  }
0x68: {  	_ =	shalt  }
0x69: {  	_ =	shalt  }
0x6a: {  	_ =	shalt  }
0x6b: {  	_ =	shalt  }
0x6c: {  	_ =	shalt  }
0x6d: {  	_ =	shalt  }
0x6e: {  	_ =	shalt  }
0x6f: {  	_ =	shalt  }
0x70: {  	_ =	shalt  }
0x71: {  	_ =	shalt  }
0x72: {  	_ =	shalt  }
0x73: {  	_ =	shalt  }
0x74: {  	_ =	shalt  }
0x75: {  	_ =	shalt  }
0x76: {  	_ =	shalt  }
0x77: {  	_ =	shalt  }
0x78: {  	_ =	shalt  }
0x79: {  	_ =	shalt  }
0x7a: {  	_ =	shalt  }
0x7b: {  	_ =	shalt  }
0x7c: {  	_ =	shalt  }
0x7d: {  	_ =	shalt  }
0x7e: {  	_ =	shalt  }
0x7f: {  	_ =	shalt  }
0x80: {  	_ =	shalt  }
0x81: {  	_ =	shalt  }
0x82: {  	_ =	shalt  }
0x83: {  	_ =	shalt  }
0x84: {  	_ =	shalt  }
0x85: {  	_ =	shalt  }
0x86: {  	_ =	shalt  }
0x87: {  	_ =	shalt  }
.Lfunc_end0:
.L_simem_size_0:
called_computation_lowered:
.L_overlay_start_0:
0x88: {  	s2 =	sld [smem:$0x3FD9]  }
0x89: {  	s3 =	sld [smem:$0x3FFE];
	_ =	sdelay $0x1  }
0x8a: {  	s1 =	srdreg.scid  }
0x8b: {  	s0 =	sand.u32 $0x1, s1  }
0x8c: {  	s17 =	sshll.u32 s0, $0xA;
	s2 =	sadd.s32 s3, s2  }
0x8d: {  	s2 =	sadd.s32 s2, s17  }
0x8e: {  	[smem:$0x3FC3] =	sst s2  }
0x8f: {  	_ = 	snop  }
0x90: {  	s2 =	sld [smem:$0x3FC9]  }
0x91: {  	s18 =	sld [smem:$0x3FC8]  }
0x92: {  	s4 =	sld [smem:$0x3FC7]  }
0x93: {  	s5 =	sld [smem:$0x3FC6]  }
0x94: {  	s6 =	sld [smem:$0x3FC5];
	(tm) =	ssettm $0x1  }
0x95: {  	s7 =	sld [smem:$0x3FFB];
	_ =	sdelay $0x3  }
0x96: {  	_ =	strace s7  }
0x97: {  	s7 =	sld [smem:$0x3FFC];
	_ =	sdelay $0x3  }
0x98: {  	_ =	strace s7  }
0x99: {  	s7 =	sld [smem:$0x3FFD];
	_ =	sdelay $0x3  }
0x9a: {  	_ =	strace s7  }
0x9b: {  	_ =	strace $0x8FFFFFFF  }
0x9c: {  	s19 =	sld [smem:$0x3FDB];
	_ =	sdelay $0x1  }
0x9d: {  	s8 =	simm.s32 $_scs_section_size  }
0x9e: {  	s9 =	simm.s32 $_size__tile_overlayer_lowered;
	s10 =	simm.s32 $_tile_overlayer_lowered  }
0x9f: {  	s22 =	simm.s32 $0x1BFF;
	s21 =	sshll.u32 s10, $0x1;
	s7 =	sadd.s32 s8, s19  }
0xa0: {  	s11 =	simm.s32 $0x0;
	s20 =	sshll.u32 s9, $0x1;
	s9 =	sadd.s32 s21, s7  }
0xa1: {  	[timem:s11], [sflag:s22] =	dma.local [hbm:s9], s20  }
0xa2: {  	_ =	swait.ge [sflag:s22], s20  }
0xa3: {  	s8 =	ssub.s32 $0x0, s20;
	[sflag:s22] =	ssyncset.done $0x0  }
0xa4: {  	[sflag:s22] =	ssyncadd.s32 s8;
	_ =	sdelay $0x1  }
0xa5: {  	s23 =	simm.s32 $0x1B8B  }
0xa6: {  	_ =	swait.ge [sflag:s23], $0x1  }
0xa7: {  	[sflag:s23] =	ssyncset.done $0x0  }
0xa8: {  	s25 =	simm.s32 $0x1B8E;
	s24 =	sld [smem:$0x3FFE];
	[sflag:s23] =	ssyncadd.s32 $0xFFFFFFFF  }
0xa9: {  	s26 =	simm.s32 $execute0_lowered;
	[smem:$0x3FD2] =	sst s25  }
0xaa: {  	s9 =	sshll.u32 s26, $0x1;
	_ =	strace $0x80000046;
	[dreg:$0x1] =	wrdreg $0xFFFFFFFF  }
0xab: {  	s28 =	simm.s32 $_size_execute0_lowered;
	s7 =	sadd.s32 s7, s9;
	[dreg:$0x0] =	wrdreg $0x0  }
0xac: {  	s9 =	sshll.u32 s28, $0x1;
	[dreg:$0x2] =	wrdreg s7  }
0xad: {  	[dreg:$0x3] =	wrdreg s9  }
0xae: {  	[dreg:$0x4] =	wrdreg $0xC0  }
0xaf: {  	_ =	task [dreg:s11], $0x5FFFF  }
0xb0: {  	[dreg:$0x1] =	wrdreg $0xFFFFFFFF  }
0xb1: {  	[dreg:$0x0] =	wrdreg $0x60  }
0xb2: {  	[dreg:$0x2] =	wrdreg s2  }
0xb3: {  	[dreg:$0x3] =	wrdreg s18  }
0xb4: {  	[dreg:$0x4] =	wrdreg s4  }
0xb5: {  	[dreg:$0x5] =	wrdreg s5  }
0xb6: {  	[dreg:$0x6] =	wrdreg s6  }
0xb7: {  	[dreg:$0x7] =	wrdreg s24  }
0xb8: {  	[dreg:$0x8] =	wrdreg $0x9  }
0xb9: {  	_ =	task.clear_ibuf [dreg:s11], $0x9FFFF;
	_ =	strace $0x90000046  }
0xba: {  	s29 =	simm.s32 $0x9;
	_ =	strace $0x80000048  }
0xbb: {  	_ =	swait.ge [sflag:s29], $0x1  }
0xbc: {  	[sflag:s29] =	ssyncadd.s32 $0xFFFFFFFF  }
0xbd: {  	_ =	strace $0x90000048  }
0xbe: {  	_ =	sfence  }
0xbf: {  	s30 =	sld [smem:$0x0];
	_ =	sdelay $0x2  }
0xc0: {  	s31 =	sshll.u32 s1, $0xD;
	s1 =	sshrl.u32 s1, $0x2  }
0xc1: {  	s3 =	sand.u32 $0x4000, s31;
	s1 =	sadd.s32 s1, s30  }
0xc2: {  	s0 =	sor.u32 s3, s0;
	s1 =	sshll.u32 s1, $0x11  }
0xc3: {  	s0 =	sor.u32 s1, s0  }
0xc4: {  	s0 =	sadd.s32 $0x8F2B, s0  }
0xc5: {  	[sflag:s0] =	ssyncadd.remote.s32 $0x1  }
0xc6: {  	_ =	sfence.sel $0xFFFF  }
0xc7: {  	[dreg:$0x0] =	wrdreg $0xFFFFFFFF;
	(pc) =	sbr.abs _section_cstart, $3  }
0xc8: {  	[dreg:$0x1] =	wrdreg $0xFFFFFFFF  }
0xc9: {  	_ =	task.clear_ibuf [dreg:s11], $0x2FFFF;
	_ =	strace $0x9FFFFFFF  }
0xca: {  	(tm) =	ssettm $0x7FFFFFFF  }
0xcb: {  	_ =	shalt  }
tec
execute0_lowered:
.L_overlay_start_1:
0x0: {  	(tag) =	ssettag $0x1  }
0x1: {  	s0 =	rddreg [dreg:$0x0]  }
0x2: {  	s3 =	rddreg [dreg:$0x1]  }
0x3: {  	s7 =	rddreg [dreg:$0x2]  }
0x4: {  	s1 =	rddreg [dreg:$0x3]  }
0x5: {  	s2 =	rddreg [dreg:$0x4]  }
0x6: {  	s5 =	rddreg [dreg:$0x5];
	s6 =	srdreg.scid  }
0x7: {  	s4 =	simm.s32 $0x0;
	s8 =	stileid.u32;
	s12 =	simm.s32 $0x400  }
0x8: {  	s13 =	simm.s32 $0x10;
	s14 =	simm.s32 $0x540;
	s15 =	simm.s32 $0x12400  }
0x9: {  	s16 =	simm.s32 $0x5C0;
	s17 =	simm.s32 $0x12C00;
	s18 =	simm.s32 $0x640  }
0xa: {  	s19 =	simm.s32 $0x13400;
	s20 =	simm.s32 $0x16400;
	s6 =	sand.u32 $0x1, s6  }
0xb: {  	s21 =	simm.s32 $0x0;
	s8 =	sshll.u32 s8, $0xA;
	s9 =	sshll.u32 s6, $0x9  }
0xc: {  	[smem:$0x7FF] =	sst s4;
	s6 =	ssub.s32 $0x2, s6;
	s8 =	sor.u32 s9, s8  }
0xd: {  	_ =	strace $0x80000047;
	s31 =	sshrl.u32 s6, $0x1;
	s9 =	sadd.s32 s8, s5  }
0xe: {  	s10 =	sshrl.u32 s8, $0x3;
	s11 =	ssub.s32 s6, s31;
	s7 =	sadd.s32 s7, s8  }
0xf: {  	s5 =	sadd.s32 s0, s10;
	s6 =	sadd.s32 s3, s10;
	s8 =	sadd.s32 $0x800, s9  }
0x10: {  	v0 =	vlaneseq.u32;
	s9 =	smax.u32 s11, $0x1;
	s10 =	simm.s32 $0x7;
	s11 =	simm.s32 $0x200  }
.LBB2_1:
0x11: {  	[tilespmem:s4], [sflag:$0x7] =	stream.linear.gather [hbm4b:s5+s4], $0x200, $0x38;
	[tilespmem:$0x17400] =	vst v63  }
0x12: {  	_ =	swait.ge [sflag:s10], $0x200  }
0x13: {  	[sflag:s10] =	ssyncset.done $0x0  }
0x14: {  	[sflag:s10] =	ssyncadd.s32 $0xFFFFFE00  }
0x15: {  	[tilespmem:s11], [sflag:$0x7] =	stream.linear.gather [hbm4b:s6+s4], $0x200, $0x38;
	[tilespmem:$0x17400] =	vst v63  }
0x16: {  	_ =	swait.ge [sflag:s10], $0x200  }
0x17: {  	[sflag:s10] =	ssyncset.done $0x0  }
0x18: {  	[sflag:s10] =	ssyncadd.s32 $0xFFFFFE00  }
0x19: {  	[tilespmem:s12], [sflag:$0x7] =	stream.linear.gather [hbm4b:s7+s4], $0x1000, $0x38;
	[tilespmem:$0x17400] =	vst v63  }
0x1a: {  	_ =	swait.ge [sflag:s10], $0x1000  }
0x1b: {  	[sflag:s10] =	ssyncset.done $0x0  }
0x1c: {  	s22 =	simm.s32 $0x1400;
	[sflag:s10] =	ssyncadd.s32 $0xFFFFF000  }
0x1d: {  	[tilespmem:s22], [sflag:$0x1] =	stream.indirect.gather [hbm4b:s1+s13], $0x80, s4, s13, $0xb8;
	[tilespmem:$0x17400] =	vst v63  }
0x1e: {  	s23 =	simm.s32 $0x4400  }
0x1f: {  	[tilespmem:s23], [sflag:$0x1] =	stream.indirect.gather [hbm4b:s2+s13], $0x80, s11, s13, $0xb8;
	[tilespmem:$0x17400] =	vst v63  }
0x20: {  	s24 =	simm.s32 $0x7400  }
0x21: {  	[tilespmem:s24], [sflag:$0x1] =	stream.indirect.gather [hbm4b:s2+s13], $0x80, s12, s13, $0xb8;
	[tilespmem:$0x17400] =	vst v63  }
0x22: {  	s0 =	simm.s32 $0x480;
	s3 =	simm.s32 $0x7C00  }
0x23: {  	[tilespmem:s3], [sflag:$0x1] =	stream.indirect.gather [hbm4b:s2+s13], $0x80, s0, s13, $0xb8;
	[tilespmem:$0x17400] =	vst v63  }
0x24: {  	s25 =	simm.s32 $0x500;
	s26 =	simm.s32 $0x8400  }
0x25: {  	[tilespmem:s26], [sflag:$0x1] =	stream.indirect.gather [hbm4b:s2+s13], $0x80, s25, s13, $0xb8;
	[tilespmem:$0x17400] =	vst v63  }
0x26: {  	s28 =	simm.s32 $0x580;
	s29 =	simm.s32 $0x8C00  }
0x27: {  	[tilespmem:s29], [sflag:$0x1] =	stream.indirect.gather [hbm4b:s2+s13], $0x80, s28, s13, $0xb8;
	[tilespmem:$0x17400] =	vst v63  }
0x28: {  	s30 =	simm.s32 $0x600;
	s31 =	simm.s32 $0x9400  }
0x29: {  	[tilespmem:s31], [sflag:$0x1] =	stream.indirect.gather [hbm4b:s2+s13], $0x80, s30, s13, $0xb8;
	[tilespmem:$0x17400] =	vst v63  }
0x2a: {  	s3 =	simm.s32 $0x1C00  }
0x2b: {  	[tilespmem:s3], [sflag:$0x2] =	stream.indirect.gather [hbm4b:s1+s13], $0x80, s13, s13, $0xb8;
	[tilespmem:$0x17400] =	vst v63  }
0x2c: {  	s25 =	simm.s32 $0x210;
	s26 =	simm.s32 $0x4C00  }
0x2d: {  	[tilespmem:s26], [sflag:$0x2] =	stream.indirect.gather [hbm4b:s2+s13], $0x80, s25, s13, $0xb8;
	[tilespmem:$0x17400] =	vst v63  }
0x2e: {  	s28 =	simm.s32 $0x410;
	s29 =	simm.s32 $0x9C00  }
0x2f: {  	[tilespmem:s29], [sflag:$0x2] =	stream.indirect.gather [hbm4b:s2+s13], $0x80, s28, s13, $0xb8;
	[tilespmem:$0x17400] =	vst v63  }
0x30: {  	s30 =	simm.s32 $0x490;
	s31 =	simm.s32 $0xA400  }
0x31: {  	[tilespmem:s31], [sflag:$0x2] =	stream.indirect.gather [hbm4b:s2+s13], $0x80, s30, s13, $0xb8;
	[tilespmem:$0x17400] =	vst v63  }
0x32: {  	s25 =	simm.s32 $0x510;
	s26 =	simm.s32 $0xAC00  }
0x33: {  	[tilespmem:s26], [sflag:$0x2] =	stream.indirect.gather [hbm4b:s2+s13], $0x80, s25, s13, $0xb8;
	[tilespmem:$0x17400] =	vst v63  }
0x34: {  	s28 =	simm.s32 $0x590;
	s29 =	simm.s32 $0xB400  }
0x35: {  	[tilespmem:s29], [sflag:$0x2] =	stream.indirect.gather [hbm4b:s2+s13], $0x80, s28, s13, $0xb8;
	[tilespmem:$0x17400] =	vst v63  }
0x36: {  	s30 =	simm.s32 $0x610;
	s31 =	simm.s32 $0xBC00  }
0x37: {  	[tilespmem:s31], [sflag:$0x2] =	stream.indirect.gather [hbm4b:s2+s13], $0x80, s30, s13, $0xb8;
	[tilespmem:$0x17400] =	vst v63  }
0x38: {  	s25 =	simm.s32 $0x20;
	s26 =	simm.s32 $0x2400  }
0x39: {  	[tilespmem:s26], [sflag:$0x3] =	stream.indirect.gather [hbm4b:s1+s13], $0x80, s25, s13, $0xb8;
	[tilespmem:$0x17400] =	vst v63  }
0x3a: {  	s28 =	simm.s32 $0x220;
	s29 =	simm.s32 $0x5400  }
0x3b: {  	[tilespmem:s29], [sflag:$0x3] =	stream.indirect.gather [hbm4b:s2+s13], $0x80, s28, s13, $0xb8;
	[tilespmem:$0x17400] =	vst v63  }
0x3c: {  	s30 =	simm.s32 $0x420;
	s31 =	simm.s32 $0xC400  }
0x3d: {  	[tilespmem:s31], [sflag:$0x3] =	stream.indirect.gather [hbm4b:s2+s13], $0x80, s30, s13, $0xb8;
	[tilespmem:$0x17400] =	vst v63  }
0x3e: {  	s25 =	simm.s32 $0x4A0;
	s26 =	simm.s32 $0xCC00  }
0x3f: {  	[tilespmem:s26], [sflag:$0x3] =	stream.indirect.gather [hbm4b:s2+s13], $0x80, s25, s13, $0xb8;
	[tilespmem:$0x17400] =	vst v63  }
0x40: {  	s28 =	simm.s32 $0x520;
	s29 =	simm.s32 $0xD400  }
0x41: {  	[tilespmem:s29], [sflag:$0x3] =	stream.indirect.gather [hbm4b:s2+s13], $0x80, s28, s13, $0xb8;
	[tilespmem:$0x17400] =	vst v63  }
0x42: {  	s30 =	simm.s32 $0x5A0;
	s31 =	simm.s32 $0xDC00  }
0x43: {  	[tilespmem:s31], [sflag:$0x3] =	stream.indirect.gather [hbm4b:s2+s13], $0x80, s30, s13, $0xb8;
	[tilespmem:$0x17400] =	vst v63  }
0x44: {  	s25 =	simm.s32 $0x620;
	s26 =	simm.s32 $0xE400  }
0x45: {  	[tilespmem:s26], [sflag:$0x3] =	stream.indirect.gather [hbm4b:s2+s13], $0x80, s25, s13, $0xb8;
	[tilespmem:$0x17400] =	vst v63  }
0x46: {  	s28 =	simm.s32 $0x30;
	s29 =	simm.s32 $0x2C00  }
0x47: {  	[tilespmem:s29], [sflag:$0x4] =	stream.indirect.gather [hbm4b:s1+s13], $0x80, s28, s13, $0xb8;
	[tilespmem:$0x17400] =	vst v63  }
0x48: {  	s30 =	simm.s32 $0x230;
	s31 =	simm.s32 $0x5C00  }
0x49: {  	[tilespmem:s31], [sflag:$0x4] =	stream.indirect.gather [hbm4b:s2+s13], $0x80, s30, s13, $0xb8;
	[tilespmem:$0x17400] =	vst v63  }
0x4a: {  	s25 =	simm.s32 $0x430;
	s26 =	simm.s32 $0xEC00  }
0x4b: {  	[tilespmem:s26], [sflag:$0x4] =	stream.indirect.gather [hbm4b:s2+s13], $0x80, s25, s13, $0xb8;
	[tilespmem:$0x17400] =	vst v63  }
0x4c: {  	s28 =	simm.s32 $0x4B0;
	s29 =	simm.s32 $0xF400  }
0x4d: {  	[tilespmem:s29], [sflag:$0x4] =	stream.indirect.gather [hbm4b:s2+s13], $0x80, s28, s13, $0xb8;
	[tilespmem:$0x17400] =	vst v63  }
0x4e: {  	s30 =	simm.s32 $0x530;
	s31 =	simm.s32 $0xFC00  }
0x4f: {  	[tilespmem:s31], [sflag:$0x4] =	stream.indirect.gather [hbm4b:s2+s13], $0x80, s30, s13, $0xb8;
	[tilespmem:$0x17400] =	vst v63  }
0x50: {  	s25 =	simm.s32 $0x5B0;
	s26 =	simm.s32 $0x10400  }
0x51: {  	[tilespmem:s26], [sflag:$0x4] =	stream.indirect.gather [hbm4b:s2+s13], $0x80, s25, s13, $0xb8;
	[tilespmem:$0x17400] =	vst v63  }
0x52: {  	s28 =	simm.s32 $0x630;
	s29 =	simm.s32 $0x10C00  }
0x53: {  	[tilespmem:s29], [sflag:$0x4] =	stream.indirect.gather [hbm4b:s2+s13], $0x80, s28, s13, $0xb8;
	[tilespmem:$0x17400] =	vst v63  }
0x54: {  	s30 =	simm.s32 $0x40;
	s31 =	simm.s32 $0x3400  }
0x55: {  	[tilespmem:s31], [sflag:$0x5] =	stream.indirect.gather [hbm4b:s1+s13], $0x80, s30, s13, $0xb8;
	[tilespmem:$0x17400] =	vst v63  }
0x56: {  	s25 =	simm.s32 $0x240;
	s26 =	simm.s32 $0x6400  }
0x57: {  	[tilespmem:s26], [sflag:$0x5] =	stream.indirect.gather [hbm4b:s2+s13], $0x80, s25, s13, $0xb8;
	[tilespmem:$0x17400] =	vst v63  }
0x58: {  	s28 =	simm.s32 $0x440;
	s29 =	simm.s32 $0x11400  }
0x59: {  	[tilespmem:s29], [sflag:$0x5] =	stream.indirect.gather [hbm4b:s2+s13], $0x80, s28, s13, $0xb8;
	[tilespmem:$0x17400] =	vst v63  }
0x5a: {  	s30 =	simm.s32 $0x4C0;
	s31 =	simm.s32 $0x11C00  }
0x5b: {  	[tilespmem:s31], [sflag:$0x5] =	stream.indirect.gather [hbm4b:s2+s13], $0x80, s30, s13, $0xb8;
	[tilespmem:$0x17400] =	vst v63  }
0x5c: {  	_ = 	snop  }
0x5d: {  	[tilespmem:s15], [sflag:$0x5] =	stream.indirect.gather [hbm4b:s2+s13], $0x80, s14, s13, $0xb8;
	[tilespmem:$0x17400] =	vst v63  }
0x5e: {  	_ = 	snop  }
0x5f: {  	[tilespmem:s17], [sflag:$0x5] =	stream.indirect.gather [hbm4b:s2+s13], $0x80, s16, s13, $0xb8;
	[tilespmem:$0x17400] =	vst v63  }
0x60: {  	s25 =	simm.s32 $0x0  }
0x61: {  	[tilespmem:s19], [sflag:$0x5] =	stream.indirect.gather [hbm4b:s2+s13], $0x80, s18, s13, $0xb8;
	[tilespmem:$0x17400] =	vst v63  }
.LBB2_2:
0x62: {  	p0 =	sgt.u32 s25, $0x1A  }
0x63: {  	s26 =	sadd.s32 @!p0 $0x5, s25  }
0x64: {  	s28 =	smul.u32 @!p0 $0xAB, s26;
	_ =	sdelay $0x1  }
0x65: {  	s28 =	sshrl.u32 @!p0 s28, $0xA  }
0x66: {  	s28 =	sand.u32 @!p0 $0x3F, s28  }
0x67: {  	s28 =	smul.u32 @!p0 $0x6, s28;
	_ =	sdelay $0x1  }
0x68: {  	s28 =	ssub.s32 @!p0 s26, s28  }
0x69: {  	s3 =	simm.s32 @!p0 $0x10;
	s28 =	sand.u32 @!p0 $0xFF, s28  }
0x6a: {  	s29 =	sshll.u32 @!p0 s26, $0x4;
	s26 =	sshll.u32 @!p0 s26, $0x7;
	s30 =	sshll.u32 @!p0 s28, $0xB  }
0x6b: {  	s0 =	sadd.s32 @!p0 $0x1, s28;
	s28 =	smul.u32 @!p0 $0xA000, s28;
	s31 =	sadd.s32 @!p0 $0x1400, s30  }
0x6c: {  	[tilespmem:s31], [sflag:s0] =	stream.indirect.gather @!p0 [hbm4b:s1+s3], $0x80, s29, s3, $0xb8;
	[tilespmem:$0x17400] =	vst v63  }
0x6d: {  	s26 =	sand.u32 @!p0 $0x1C00, s26;
	s31 =	sadd.s32 @!p0 $0x200, s29;
	s29 =	sand.u32 @!p0 $0x70, s29  }
0x6e: {  	s30 =	sor.u32 @!p0 $0x4400, s30;
	s28 =	sshrl.u32 @!p0 s28, $0x2;
	s26 =	sor.u32 @!p0 s29, s26  }
0x6f: {  	[tilespmem:s30], [sflag:s0] =	stream.indirect.gather @!p0 [hbm4b:s2+s3], $0x80, s31, s3, $0xb8;
	[tilespmem:$0x17400] =	vst v63  }
0x70: {  	s29 =	sadd.s32 @!p0 $0x7400, s28;
	s30 =	sadd.s32 @!p0 $0x400, s26  }
0x71: {  	[tilespmem:s29], [sflag:s0] =	stream.indirect.gather @!p0 [hbm4b:s2+s3], $0x80, s30, s3, $0xb8;
	[tilespmem:$0x17400] =	vst v63  }
0x72: {  	s29 =	sadd.s32 @!p0 $0x7C00, s28;
	s30 =	sadd.s32 @!p0 $0x480, s26  }
0x73: {  	[tilespmem:s29], [sflag:s0] =	stream.indirect.gather @!p0 [hbm4b:s2+s3], $0x80, s30, s3, $0xb8;
	[tilespmem:$0x17400] =	vst v63  }
0x74: {  	s29 =	sadd.s32 @!p0 $0x8400, s28;
	s30 =	sadd.s32 @!p0 $0x500, s26  }
0x75: {  	[tilespmem:s29], [sflag:s0] =	stream.indirect.gather @!p0 [hbm4b:s2+s3], $0x80, s30, s3, $0xb8;
	[tilespmem:$0x17400] =	vst v63  }
0x76: {  	s31 =	smul.u32 $0xAB, s25;
	s29 =	sadd.s32 @!p0 $0x8C00, s28;
	s30 =	sadd.s32 @!p0 $0x580, s26  }
0x77: {  	[tilespmem:s29], [sflag:s0] =	stream.indirect.gather @!p0 [hbm4b:s2+s3], $0x80, s30, s3, $0xb8;
	[tilespmem:$0x17400] =	vst v63  }
0x78: {  	s29 =	sshrl.u32 s31, $0xA  }
0x79: {  	s29 =	sand.u32 $0x3F, s29  }
0x7a: {  	s28 =	sadd.s32 @!p0 $0x9400, s28;
	s26 =	sadd.s32 @!p0 $0x600, s26;
	s29 =	smul.u32 $0x6, s29  }
0x7b: {  	[tilespmem:s28], [sflag:s0] =	stream.indirect.gather @!p0 [hbm4b:s2+s3], $0x80, s26, s3, $0xb8;
	[tilespmem:$0x17400] =	vst v63  }
0x7c: {  	s3 =	ssub.s32 s25, s29  }
0x7d: {  	s0 =	sand.u32 $0xFF, s3  }
0x7e: {  	s0 =	sadd.s32 $0x1, s0  }
0x7f: {  	_ =	swait.ge [sflag:s0], $0x800  }
0x80: {  	[sflag:s0] =	ssyncset.done $0x0  }
0x81: {  	[sflag:s0] =	ssyncadd.s32 $0xFFFFF800  }
0x82: {  	_ =	swait.ge [sflag:s0], $0x800  }
0x83: {  	[sflag:s0] =	ssyncset.done $0x0  }
0x84: {  	[sflag:s0] =	ssyncadd.s32 $0xFFFFF800  }
0x85: {  	_ =	swait.ge [sflag:s0], $0x800  }
0x86: {  	[sflag:s0] =	ssyncset.done $0x0  }
0x87: {  	[sflag:s0] =	ssyncadd.s32 $0xFFFFF800  }
0x88: {  	s26 =	smulhi.u32 $0xAAAAAAAB, s25;
	_ =	swait.ge [sflag:s0], $0x800  }
0x89: {  	[sflag:s0] =	ssyncset.done $0x0  }
0x8a: {  	s3 =	sshrl.u32 s26, $0x2;
	[sflag:s0] =	ssyncadd.s32 $0xFFFFF800  }
0x8b: {  	s30 =	smul.u32 $0xFFFF4000, s3;
	_ =	swait.ge [sflag:s0], $0x800  }
0x8c: {  	s3 =	smul.u32 $0xFFFC4000, s3;
	[sflag:s0] =	ssyncset.done $0x0  }
0x8d: {  	s26 =	sshra.s32 s30, $0x2;
	[sflag:s0] =	ssyncadd.s32 $0xFFFFF800  }
0x8e: {  	s3 =	sshra.s32 s3, $0x2;
	s28 =	sadd.s32 s26, s22;
	_ =	swait.ge [sflag:s0], $0x800  }
0x8f: {  	s3 =	sadd.s32 s3, s24;
	v9 =	vmov s28;
	[sflag:s0] =	ssyncset.done $0x0  }
0x90: {  	v1 =	vmov s3;
	[sflag:s0] =	ssyncadd.s32 $0xFFFFF800  }
0x91: {  	_ =	swait.ge [sflag:s0], $0x800  }
0x92: {  	[sflag:s0] =	ssyncset.done $0x0  }
0x93: {  	s29 =	simm.s32 $0x0;
	[sflag:s0] =	ssyncadd.s32 $0xFFFFF800  }
0x94: {  	v3 =	vld.idx.msk [tilespmem:v9+s29+$0x0 ss:$0x1], $0xffff  }
0x95: {  	v4 =	vld.idx.msk [tilespmem:v1+s29+$0x2000 ss:$0x1], $0xffff  }
0x96: {  	v6 =	vld.idx.msk [tilespmem:v9+s29+$0x10 ss:$0x1], $0xffff  }
0x97: {  	v7 =	vld.idx.msk [tilespmem:v1+s29+$0x2010 ss:$0x1], $0xffff  }
0x98: {  	v8 =	vld.idx.msk [tilespmem:v9+s29+$0x20 ss:$0x1], $0xffff  }
0x99: {  	v11 =	vld.idx.msk [tilespmem:v1+s29+$0x2020 ss:$0x1], $0xffff  }
0x9a: {  	v12 =	vld.idx.msk [tilespmem:v9+s29+$0x30 ss:$0x1], $0xffff  }
0x9b: {  	v13 =	vld.idx.msk [tilespmem:v1+s29+$0x2030 ss:$0x1], $0xffff  }
0x9c: {  	v14 =	vld.idx.msk [tilespmem:v9+s29+$0x40 ss:$0x1], $0xffff  }
0x9d: {  	v15 =	vld.idx.msk [tilespmem:v1+s29+$0x2040 ss:$0x1], $0xffff  }
0x9e: {  	s31 =	sadd.s32 s26, s23;
	v16 =	vld.idx.msk [tilespmem:v9+s29+$0x50 ss:$0x1], $0xffff  }
0x9f: {  	v2 =	vmov s31;
	v17 =	vld.idx.msk [tilespmem:v1+s29+$0x2050 ss:$0x1], $0xffff  }
0xa0: {  	v5 =	vld.idx.msk [tilespmem:v9+s29+$0x60 ss:$0x1], $0xffff  }
0xa1: {  	v18 =	vld.idx.msk [tilespmem:v1+s29+$0x2060 ss:$0x1], $0xffff  }
0xa2: {  	v10 =	vld.idx.msk [tilespmem:v9+s29+$0x70 ss:$0x1], $0xffff  }
0xa3: {  	v19 =	vld.idx.msk [tilespmem:v1+s29+$0x2070 ss:$0x1], $0xffff  }
0xa4: {  	v20 =	vld.idx.msk [tilespmem:v2+s29+$0x0 ss:$0x1], $0xffff;
	v4 =	vmul.f32 v4, v3  }
0xa5: {  	v21 =	vld.idx.msk [tilespmem:v1+s29+$0x0 ss:$0x1], $0xffff  }
0xa6: {  	v22 =	vld.idx.msk [tilespmem:v1+s29+$0x800 ss:$0x1], $0xffff;
	v7 =	vmul.f32 v7, v6;
	v4 =	vadd.f32 $0.0e+00, v4  }
0xa7: {  	v23 =	vld.idx.msk [tilespmem:v1+s29+$0x1000 ss:$0x1], $0xffff  }
0xa8: {  	v24 =	vld.idx.msk [tilespmem:v2+s29+$0x10 ss:$0x1], $0xffff;
	v4 =	vadd.f32 v7, v4;
	v7 =	vmul.f32 v11, v8  }
0xa9: {  	v25 =	vld.idx.msk [tilespmem:v1+s29+$0x810 ss:$0x1], $0xffff  }
0xaa: {  	v26 =	vld.idx.msk [tilespmem:v1+s29+$0x1810 ss:$0x1], $0xffff;
	v4 =	vadd.f32 v7, v4;
	v7 =	vmul.f32 v13, v12  }
0xab: {  	v27 =	vld.idx.msk [tilespmem:v1+s29+$0x20 ss:$0x1], $0xffff  }
0xac: {  	v28 =	vld.idx.msk [tilespmem:v1+s29+$0x1020 ss:$0x1], $0xffff;
	v4 =	vadd.f32 v7, v4;
	v7 =	vmul.f32 v15, v14  }
0xad: {  	v29 =	vld.idx.msk [tilespmem:v2+s29+$0x30 ss:$0x1], $0xffff  }
0xae: {  	v11 =	vld.idx.msk [tilespmem:v1+s29+$0x1800 ss:$0x1], $0xffff;
	v4 =	vadd.f32 v7, v4;
	v7 =	vmul.f32 v17, v16  }
0xaf: {  	v15 =	vld.idx.msk [tilespmem:v1+s29+$0x1010 ss:$0x1], $0xffff  }
0xb0: {  	v13 =	vld.idx.msk [tilespmem:v1+s29+$0x10 ss:$0x1], $0xffff;
	v4 =	vadd.f32 v7, v4;
	v7 =	vmul.f32 v18, v5  }
0xb1: {  	v21 =	vmul.f32 v21, v3;
	v18 =	vld.idx.msk [tilespmem:v1+s29+$0x820 ss:$0x1], $0xffff  }
0xb2: {  	v30 =	vld.idx.msk [tilespmem:v1+s29+$0x830 ss:$0x1], $0xffff;
	v22 =	vmul.f32 v22, v3;
	v4 =	vadd.f32 v7, v4;
	v7 =	vmul.f32 v19, v10  }
0xb3: {  	v24 =	vmul.f32 v24, v6;
	v17 =	vld.idx.msk [tilespmem:v2+s29+$0x20 ss:$0x1], $0xffff;
	v19 =	vmul.f32 v20, v3  }
0xb4: {  	v21 =	vadd.f32 $0.0e+00, v21;
	v15 =	vmul.f32 v15, v6;
	v20 =	vld.idx.msk [tilespmem:v1+s29+$0x1820 ss:$0x1], $0xffff;
	v4 =	vadd.f32 v7, v4  }
0xb5: {  	v7 =	vadd.f32 $0.0e+00, v19;
	v19 =	vmul.f32 v23, v3;
	v23 =	vld.idx.msk [tilespmem:v1+s29+$0x30 ss:$0x1], $0xffff;
	v3 =	vmul.f32 v11, v3  }
0xb6: {  	v22 =	vadd.f32 $0.0e+00, v22;
	v11 =	vmul.f32 v13, v6;
	v13 =	vld.idx.msk [tilespmem:v1+s29+$0x1030 ss:$0x1], $0xffff;
	v18 =	vmul.f32 v18, v8  }
0xb7: {  	(xrf2) =	vadd.scan.msk.f32 $0xffff, v4;
	v4 =	vadd.f32 $0.0e+00, v19;
	v7 =	vadd.f32 v24, v7;
	v19 =	vmul.f32 v25, v6;
	v24 =	vld.idx.msk [tilespmem:v1+s29+$0x1830 ss:$0x1], $0xffff  }
0xb8: {  	v11 =	vadd.f32 v11, v21;
	v3 =	vadd.f32 $0.0e+00, v3;
	v6 =	vmul.f32 v26, v6;
	v21 =	vld.idx.msk [tilespmem:v2+s29+$0x40 ss:$0x1], $0xffff  }
0xb9: {  	v25 =	vmul.f32 v30, v12;
	v4 =	vadd.f32 v15, v4;
	v15 =	vmul.f32 v17, v8;
	v17 =	vld.idx.msk [tilespmem:v1+s29+$0x40 ss:$0x1], $0xffff  }
0xba: {  	v19 =	vadd.f32 v19, v22;
	v3 =	vadd.f32 v6, v3;
	v6 =	vmul.f32 v27, v8;
	v22 =	vld.idx.msk [tilespmem:v1+s29+$0x840 ss:$0x1], $0xffff  }
0xbb: {  	v7 =	vadd.f32 v15, v7;
	v15 =	vmul.f32 v28, v8;
	v8 =	vmul.f32 v20, v8;
	v20 =	vld.idx.msk [tilespmem:v1+s29+$0x1040 ss:$0x1], $0xffff  }
0xbc: {  	v6 =	vadd.f32 v6, v11;
	v11 =	vadd.f32 v18, v19;
	v18 =	vmul.f32 v29, v12;
	v19 =	vld.idx.msk [tilespmem:v1+s29+$0x1840 ss:$0x1], $0xffff  }
0xbd: {  	s26 =	simm.s32 $0x0;
	v3 =	vadd.f32 v8, v3;
	v8 =	vmul.f32 v23, v12;
	v23 =	vld.idx.msk [tilespmem:v2+s29+$0x50 ss:$0x1], $0xffff  }
0xbe: {  	v7 =	vadd.f32 v18, v7;
	v18 =	vld.idx.msk [tilespmem:v1+s29+$0x50 ss:$0x1], $0xffff;
	v11 =	vadd.f32 v25, v11;
	v25 =	vmov s26  }
0xbf: {  	v13 =	vmul.f32 v13, v12;
	v15 =	vadd.f32 v15, v4;
	vm0 =	veq.s32 v25, v0;
	v25 =	vld.idx.msk [tilespmem:v1+s29+$0x60 ss:$0x1], $0xffff  }
0xc0: {  	v4 =	vimm.f32 $0.0e+00;
	v6 =	vadd.f32 v8, v6;
	v8 =	vmul.f32 v24, v12;
	v12 =	vld.idx.msk [tilespmem:v1+s29+$0x850 ss:$0x1], $0xffff  }
0xc1: {  	v22 =	vmul.f32 v22, v14;
	v13 =	vadd.f32 v13, v15;
	v15 =	vmul.f32 v21, v14;
	v21 =	vld.idx.msk [tilespmem:v1+s29+$0x1050 ss:$0x1], $0xffff  }
0xc2: {  	v20 =	vmul.f32 v20, v14;
	v24, _, _ =	vpop (xrf2);
	v8 =	vadd.f32 v8, v3;
	v3 =	vmul.f32 v17, v14;
	v17 =	vld.idx.msk [tilespmem:v1+s29+$0x1850 ss:$0x1], $0xffff  }
0xc3: {  	v11 =	vadd.f32 v22, v11;
	v7 =	vadd.f32 v15, v7;
	v15 =	vld.idx.msk [tilespmem:v2+s29+$0x60 ss:$0x1], $0xffff;
	v24 =	vbroadcast v24, $0xF  }
0xc4: {  	v27 =	vld.idx.msk [tilespmem:v1+s29+$0x1860 ss:$0x1], $0xffff;
	v14 =	vmul.f32 v19, v14;
	v19 =	vmul.f32 v23, v16;
	v13 =	vadd.f32 v20, v13  }
0xc5: {  	v18 =	vmul.f32 v18, v16;
	v6 =	vadd.f32 v3, v6;
	v3 =	vsel vm0, v24, v4;
	v24 =	vld.idx.msk [tilespmem:v1+s29+$0x860 ss:$0x1], $0xffff  }
0xc6: {  	v26 =	vld.idx.msk [tilespmem:v1+s29+$0x1060 ss:$0x1], $0xffff;
	v8 =	vadd.f32 v14, v8;
	v7 =	vadd.f32 v19, v7;
	v12 =	vmul.f32 v12, v16  }
0xc7: {  	v14 =	vmul.f32 v21, v16;
	v6 =	vadd.f32 v18, v6;
	v18 =	vld.idx.msk [tilespmem:v2+s29+$0x70 ss:$0x1], $0xffff;
	v16 =	vmul.f32 v17, v16  }
0xc8: {  	v11 =	vadd.f32 v12, v11;
	v12 =	vmul.f32 v15, v5;
	v15 =	vld.idx.msk [tilespmem:v1+s29+$0x70 ss:$0x1], $0xffff;
	v17 =	vmul.f32 v25, v5  }
0xc9: {  	v23 =	vadd.f32 v14, v13;
	v14 =	vld.idx.msk [tilespmem:v1+s29+$0x1070 ss:$0x1], $0xffff;
	v25 =	vmul.f32 v27, v5;
	v20 =	vadd.f32 v16, v8  }
0xca: {  	v16 =	vld.idx.msk [tilespmem:v1+s29+$0x870 ss:$0x1], $0xffff;
	v22 =	vadd.f32 v12, v7;
	v19 =	vadd.f32 v17, v6;
	v8 =	vmul.f32 v24, v5  }
0xcb: {  	s28 =	simm.s32 $0x80;
	v17 =	vld.idx.msk [tilespmem:v1+s29+$0x1870 ss:$0x1], $0xffff;
	v7 =	vimm.f32 $0.0e+00;
	v6 =	vimm.f32 $0.0e+00;
	v24 =	vmul.f32 v26, v5  }
0xcc: {  	v12 =	vld.idx.msk [tilespmem:v9+s28+$0x0 ss:$0x1], $0xffff;
	s29 =	simm.s32 $0x400;
	v5 =	vimm.f32 $0.0e+00;
	v21 =	vadd.f32 v8, v11;
	v8 =	vimm.f32 $0.0e+00  }
.LBB2_3:
0xcd: {  	p0 =	sne.s32 s29, $0x1E00;
	v11 =	vld.idx.msk [tilespmem:v1+s28+$0x2000 ss:$0x1], $0xffff;
	v13 =	vadd.f32 v24, v23;
	v18 =	vmul.f32 v18, v10  }
0xce: {  	v15 =	vmul.f32 v15, v10;
	v23 =	vld.idx.msk [tilespmem:v9+s28+$0x10 ss:$0x1], $0xffff;
	v20 =	vadd.f32 v25, v20  }
0xcf: {  	v24 =	vld.idx.msk [tilespmem:v1+s28+$0x2010 ss:$0x1], $0xffff;
	v18 =	vadd.f32 v18, v22;
	v22 =	vmul.f32 v16, v10  }
0xd0: {  	v19 =	vadd.f32 v15, v19;
	v14 =	vmul.f32 v14, v10;
	v16 =	vld.idx.msk [tilespmem:v9+s28+$0x20 ss:$0x1], $0xffff  }
0xd1: {  	v10 =	vmul.f32 v17, v10;
	v25 =	vld.idx.msk [tilespmem:v1+s28+$0x2020 ss:$0x1], $0xffff;
	v21 =	vadd.f32 v22, v21;
	(xrf2) =	vadd.scan.msk.f32 $0xffff, v18  }
0xd2: {  	v17 =	vadd.f32 v14, v13;
	v15 =	vld.idx.msk [tilespmem:v9+s28+$0x30 ss:$0x1], $0xffff  }
0xd3: {  	v11 =	vmul.f32 v11, v12;
	v20 =	vadd.f32 v10, v20;
	v18 =	vld.idx.msk [tilespmem:v1+s28+$0x2030 ss:$0x1], $0xffff  }
0xd4: {  	v14 =	vld.idx.msk [tilespmem:v9+s28+$0x40 ss:$0x1], $0xffff;
	(xrf2) =	vadd.scan.msk.f32 $0xffff, v19  }
0xd5: {  	v10 =	vadd.f32 $0.0e+00, v11;
	v11 =	vmul.f32 v24, v23;
	v19 =	vld.idx.msk [tilespmem:v1+s28+$0x2040 ss:$0x1], $0xffff  }
0xd6: {  	v13 =	vld.idx.msk [tilespmem:v9+s28+$0x50 ss:$0x1], $0xffff  }
0xd7: {  	v10 =	vadd.f32 v11, v10;
	v22 =	vmul.f32 v25, v16;
	v24 =	vld.idx.msk [tilespmem:v1+s28+$0x2050 ss:$0x1], $0xffff;
	(xrf2) =	vadd.scan.msk.f32 $0xffff, v21  }
0xd8: {  	v11 =	vld.idx.msk [tilespmem:v9+s28+$0x60 ss:$0x1], $0xffff  }
0xd9: {  	v25 =	vadd.f32 v22, v10;
	v18 =	vmul.f32 v18, v15;
	v22 =	vld.idx.msk [tilespmem:v1+s28+$0x2060 ss:$0x1], $0xffff  }
0xda: {  	v10 =	vld.idx.msk [tilespmem:v9+s28+$0x70 ss:$0x1], $0xffff;
	(xrf2) =	vadd.scan.msk.f32 $0xffff, v17  }
0xdb: {  	v17 =	vadd.f32 v18, v25;
	v18 =	vmul.f32 v19, v14;
	v19 =	vld.idx.msk [tilespmem:v1+s28+$0x2070 ss:$0x1], $0xffff;
	v21, _, _ =	vpop (xrf2)  }
0xdc: {  	v25 =	vld.idx.msk [tilespmem:v2+s28+$0x0 ss:$0x1], $0xffff;
	v27 =	vbroadcast v21, $0xF  }
0xdd: {  	v17 =	vadd.f32 v18, v17;
	v18 =	vmul.f32 v24, v13;
	v26 =	vld.idx.msk [tilespmem:v1+s28+$0x0 ss:$0x1], $0xffff;
	(xrf2) =	vadd.scan.msk.f32 $0xffff, v20  }
0xde: {  	v20 =	vld.idx.msk [tilespmem:v1+s28+$0x800 ss:$0x1], $0xffff;
	v4 =	vsel vm0, v27, v4;
	v21, _, _ =	vpop (xrf2)  }
0xdf: {  	v17 =	vadd.f32 v18, v17;
	v18 =	vmul.f32 v22, v11;
	v24 =	vld.idx.msk [tilespmem:v1+s28+$0x1000 ss:$0x1], $0xffff;
	v21 =	vbroadcast v21, $0xF  }
0xe0: {  	v22 =	vld.idx.msk [tilespmem:v1+s28+$0x1800 ss:$0x1], $0xffff  }
0xe1: {  	v17 =	vadd.f32 v18, v17;
	v18 =	vmul.f32 v19, v10;
	v27 =	vld.idx.msk [tilespmem:v2+s28+$0x10 ss:$0x1], $0xffff;
	v8 =	vsel vm0, v21, v8;
	v19, _, _ =	vpop (xrf2)  }
0xe2: {  	v21 =	vmul.f32 v25, v12;
	v25 =	vld.idx.msk [tilespmem:v1+s28+$0x10 ss:$0x1], $0xffff;
	v29 =	vbroadcast v19, $0xF  }
0xe3: {  	v26 =	vmul.f32 v26, v12;
	v17 =	vadd.f32 v18, v17;
	v28 =	vld.idx.msk [tilespmem:v1+s28+$0x810 ss:$0x1], $0xffff  }
0xe4: {  	v18 =	vadd.f32 $0.0e+00, v21;
	v20 =	vmul.f32 v20, v12;
	v21 =	vld.idx.msk [tilespmem:v1+s28+$0x1010 ss:$0x1], $0xffff;
	v7 =	vsel vm0, v29, v7;
	v19, _, _ =	vpop (xrf2)  }
0xe5: {  	v26 =	vadd.f32 $0.0e+00, v26;
	v24 =	vmul.f32 v24, v12;
	v29 =	vld.idx.msk [tilespmem:v1+s28+$0x1810 ss:$0x1], $0xffff;
	(xrf2) =	vadd.scan.msk.f32 $0xffff, v17;
	v30 =	vbroadcast v19, $0xF  }
0xe6: {  	v19 =	vadd.f32 $0.0e+00, v20;
	v12 =	vmul.f32 v22, v12;
	v20 =	vld.idx.msk [tilespmem:v2+s28+$0x20 ss:$0x1], $0xffff  }
0xe7: {  	v22 =	vadd.f32 $0.0e+00, v24;
	v24 =	vmul.f32 v27, v23;
	v27 =	vld.idx.msk [tilespmem:v1+s28+$0x20 ss:$0x1], $0xffff;
	v6 =	vsel vm0, v30, v6;
	v17, _, _ =	vpop (xrf2)  }
0xe8: {  	v12 =	vadd.f32 $0.0e+00, v12;
	v25 =	vmul.f32 v25, v23;
	v30 =	vld.idx.msk [tilespmem:v1+s28+$0x820 ss:$0x1], $0xffff;
	v17 =	vbroadcast v17, $0xF  }
0xe9: {  	v18 =	vadd.f32 v24, v18;
	v24 =	vmul.f32 v28, v23;
	v28 =	vld.idx.msk [tilespmem:v1+s28+$0x1020 ss:$0x1], $0xffff  }
0xea: {  	v25 =	vadd.f32 v25, v26;
	v21 =	vmul.f32 v21, v23;
	v26 =	vld.idx.msk [tilespmem:v1+s28+$0x1820 ss:$0x1], $0xffff;
	v5 =	vsel vm0, v17, v5  }
0xeb: {  	v17 =	vadd.f32 v24, v19;
	v19 =	vmul.f32 v29, v23;
	v23 =	vld.idx.msk [tilespmem:v2+s28+$0x30 ss:$0x1], $0xffff  }
0xec: {  	v21 =	vadd.f32 v21, v22;
	v20 =	vmul.f32 v20, v16;
	v22 =	vld.idx.msk [tilespmem:v1+s28+$0x30 ss:$0x1], $0xffff  }
0xed: {  	v12 =	vadd.f32 v19, v12;
	v19 =	vmul.f32 v27, v16;
	v24 =	vld.idx.msk [tilespmem:v1+s28+$0x830 ss:$0x1], $0xffff  }
0xee: {  	v18 =	vadd.f32 v20, v18;
	v20 =	vmul.f32 v30, v16;
	v27 =	vld.idx.msk [tilespmem:v1+s28+$0x1030 ss:$0x1], $0xffff  }
0xef: {  	s26 =	sadd.s32 $0x1, s26;
	v19 =	vadd.f32 v19, v25;
	v25 =	vmul.f32 v28, v16;
	v28 =	vld.idx.msk [tilespmem:v1+s28+$0x1830 ss:$0x1], $0xffff;
	v29, _, _ =	vpop (xrf2)  }
0xf0: {  	v30 =	vmov s26;
	v16 =	vmul.f32 v26, v16;
	v26 =	vld.idx.msk [tilespmem:v2+s28+$0x40 ss:$0x1], $0xffff;
	v29 =	vbroadcast v29, $0xF  }
0xf1: {  	vm0 =	veq.s32 v30, v0;
	v17 =	vadd.f32 v20, v17;
	v20 =	vadd.f32 v25, v21;
	v21 =	vld.idx.msk [tilespmem:v1+s28+$0x40 ss:$0x1], $0xffff  }
0xf2: {  	v12 =	vadd.f32 v16, v12;
	v16 =	vmul.f32 v23, v15;
	v23 =	vld.idx.msk [tilespmem:v1+s28+$0x840 ss:$0x1], $0xffff;
	v3 =	vsel vm0, v29, v3  }
0xf3: {  	v22 =	vmul.f32 v22, v15;
	v24 =	vmul.f32 v24, v15;
	v25 =	vld.idx.msk [tilespmem:v1+s28+$0x1040 ss:$0x1], $0xffff  }
0xf4: {  	v16 =	vadd.f32 v16, v18;
	v18 =	vmul.f32 v27, v15;
	v27 =	vld.idx.msk [tilespmem:v1+s28+$0x1840 ss:$0x1], $0xffff  }
0xf5: {  	v19 =	vadd.f32 v22, v19;
	v17 =	vadd.f32 v24, v17;
	v15 =	vmul.f32 v28, v15;
	v22 =	vld.idx.msk [tilespmem:v2+s28+$0x50 ss:$0x1], $0xffff  }
0xf6: {  	v18 =	vadd.f32 v18, v20;
	v20 =	vmul.f32 v26, v14;
	v24 =	vld.idx.msk [tilespmem:v1+s28+$0x50 ss:$0x1], $0xffff  }
0xf7: {  	v12 =	vadd.f32 v15, v12;
	v15 =	vmul.f32 v21, v14;
	v21 =	vld.idx.msk [tilespmem:v1+s28+$0x850 ss:$0x1], $0xffff  }
0xf8: {  	v16 =	vadd.f32 v20, v16;
	v20 =	vmul.f32 v23, v14;
	v23 =	vld.idx.msk [tilespmem:v1+s28+$0x1050 ss:$0x1], $0xffff  }
0xf9: {  	v15 =	vadd.f32 v15, v19;
	v19 =	vmul.f32 v25, v14;
	v25 =	vld.idx.msk [tilespmem:v1+s28+$0x1850 ss:$0x1], $0xffff  }
0xfa: {  	v17 =	vadd.f32 v20, v17;
	v14 =	vmul.f32 v27, v14;
	v20 =	vld.idx.msk [tilespmem:v2+s28+$0x60 ss:$0x1], $0xffff  }
0xfb: {  	v19 =	vadd.f32 v19, v18;
	v18 =	vmul.f32 v22, v13;
	v22 =	vld.idx.msk [tilespmem:v1+s28+$0x60 ss:$0x1], $0xffff  }
0xfc: {  	v12 =	vadd.f32 v14, v12;
	v14 =	vmul.f32 v24, v13;
	v24 =	vld.idx.msk [tilespmem:v1+s28+$0x860 ss:$0x1], $0xffff  }
0xfd: {  	v26 =	vadd.f32 v18, v16;
	v16 =	vmul.f32 v21, v13;
	v21 =	vld.idx.msk [tilespmem:v1+s28+$0x1060 ss:$0x1], $0xffff  }
0xfe: {  	v27 =	vadd.f32 v14, v15;
	v14 =	vmul.f32 v23, v13;
	v28 =	vld.idx.msk [tilespmem:v1+s28+$0x1860 ss:$0x1], $0xffff  }
0xff: {  	v29 =	vadd.f32 v16, v17;
	v13 =	vmul.f32 v25, v13;
	v18 =	vld.idx.msk [tilespmem:v2+s28+$0x70 ss:$0x1], $0xffff  }
.Ltmp0:
0x100: {  	v23 =	vadd.f32 v14, v19;
	v14 =	vmul.f32 v20, v11;
	v15 =	vld.idx.msk [tilespmem:v1+s28+$0x70 ss:$0x1], $0xffff;
	(pc) =	sbr.rel @p0 .LBB2_3-.Ltmp0, $4  }
0x101: {  	v20 =	vadd.f32 v13, v12;
	v12 =	vmul.f32 v22, v11;
	v16 =	vld.idx.msk [tilespmem:v1+s28+$0x870 ss:$0x1], $0xffff  }
0x102: {  	v22 =	vadd.f32 v14, v26;
	v13 =	vmul.f32 v24, v11;
	v14 =	vld.idx.msk [tilespmem:v1+s28+$0x1070 ss:$0x1], $0xffff  }
0x103: {  	v19 =	vadd.f32 v12, v27;
	v24 =	vmul.f32 v21, v11;
	v17 =	vld.idx.msk [tilespmem:v1+s28+$0x1870 ss:$0x1], $0xffff;
	s28 =	sshra.s32 s29, $0x2  }
0x104: {  	s29 =	sadd.s32 $0x200, s29;
	v21 =	vadd.f32 v13, v29;
	v25 =	vmul.f32 v28, v11;
	v12 =	vld.idx.msk [tilespmem:v9+s28+$0x0 ss:$0x1], $0xffff  }
0x105: {  	_ =	sdelay $0x3  }
0x106: {  	v26 =	vld.idx.msk [tilespmem:v1+s28+$0x2000 ss:$0x1], $0xffff  }
0x107: {  	v27 =	vld.idx.msk [tilespmem:v9+s28+$0x10 ss:$0x1], $0xffff  }
0x108: {  	v28 =	vld.idx.msk [tilespmem:v1+s28+$0x2010 ss:$0x1], $0xffff  }
0x109: {  	v29 =	vld.idx.msk [tilespmem:v9+s28+$0x20 ss:$0x1], $0xffff  }
0x10a: {  	v30 =	vld.idx.msk [tilespmem:v1+s28+$0x2020 ss:$0x1], $0xffff  }
0x10b: {  	v31 =	vld.idx.msk [tilespmem:v9+s28+$0x30 ss:$0x1], $0xffff  }
0x10c: {  	v32 =	vld.idx.msk [tilespmem:v1+s28+$0x2030 ss:$0x1], $0xffff  }
0x10d: {  	v33 =	vld.idx.msk [tilespmem:v9+s28+$0x40 ss:$0x1], $0xffff  }
0x10e: {  	v34 =	vld.idx.msk [tilespmem:v1+s28+$0x2040 ss:$0x1], $0xffff  }
0x10f: {  	v13 =	vld.idx.msk [tilespmem:v9+s28+$0x50 ss:$0x1], $0xffff  }
0x110: {  	v35 =	vld.idx.msk [tilespmem:v1+s28+$0x2050 ss:$0x1], $0xffff  }
0x111: {  	v11 =	vld.idx.msk [tilespmem:v9+s28+$0x60 ss:$0x1], $0xffff  }
0x112: {  	v36 =	vld.idx.msk [tilespmem:v1+s28+$0x2060 ss:$0x1], $0xffff  }
0x113: {  	v9 =	vld.idx.msk [tilespmem:v9+s28+$0x70 ss:$0x1], $0xffff  }
0x114: {  	v37 =	vld.idx.msk [tilespmem:v1+s28+$0x2070 ss:$0x1], $0xffff  }
0x115: {  	v38 =	vld.idx.msk [tilespmem:v2+s28+$0x0 ss:$0x1], $0xffff  }
0x116: {  	v39 =	vld.idx.msk [tilespmem:v1+s28+$0x0 ss:$0x1], $0xffff  }
0x117: {  	v40 =	vld.idx.msk [tilespmem:v1+s28+$0x800 ss:$0x1], $0xffff  }
0x118: {  	v41 =	vld.idx.msk [tilespmem:v1+s28+$0x1000 ss:$0x1], $0xffff  }
0x119: {  	v42 =	vld.idx.msk [tilespmem:v1+s28+$0x1800 ss:$0x1], $0xffff  }
0x11a: {  	v43 =	vld.idx.msk [tilespmem:v2+s28+$0x10 ss:$0x1], $0xffff  }
0x11b: {  	v44 =	vld.idx.msk [tilespmem:v1+s28+$0x10 ss:$0x1], $0xffff  }
0x11c: {  	v58 =	vld.idx.msk [tilespmem:v1+s28+$0x810 ss:$0x1], $0xffff  }
0x11d: {  	v45 =	vld.idx.msk [tilespmem:v1+s28+$0x1010 ss:$0x1], $0xffff  }
0x11e: {  	v46 =	vld.idx.msk [tilespmem:v2+s28+$0x20 ss:$0x1], $0xffff;
	v18 =	vmul.f32 v18, v10;
	v15 =	vmul.f32 v15, v10  }
0x11f: {  	v47 =	vld.idx.msk [tilespmem:v1+s28+$0x820 ss:$0x1], $0xffff;
	v16 =	vmul.f32 v16, v10;
	v14 =	vmul.f32 v14, v10  }
0x120: {  	v23 =	vadd.f32 v24, v23;
	v54 =	vld.idx.msk [tilespmem:v2+s28+$0x40 ss:$0x1], $0xffff;
	v26 =	vmul.f32 v26, v12;
	v28 =	vmul.f32 v28, v27  }
0x121: {  	v18 =	vadd.f32 v18, v22;
	v22 =	vld.idx.msk [tilespmem:v1+s28+$0x1820 ss:$0x1], $0xffff;
	v57 =	vmul.f32 v30, v29;
	v59 =	vmul.f32 v32, v31  }
0x122: {  	v14 =	vadd.f32 v14, v23;
	v23 =	vld.idx.msk [tilespmem:v1+s28+$0x1030 ss:$0x1], $0xffff;
	v60 =	vmul.f32 v34, v33;
	v62 =	vmul.f32 v35, v13  }
0x123: {  	v32 =	vld.idx.msk [tilespmem:v1+s28+$0x1810 ss:$0x1], $0xffff;
	v63 =	vmul.f32 v36, v11;
	v35 =	vmul.f32 v17, v10  }
0x124: {  	v20 =	vadd.f32 v25, v20;
	v34 =	vld.idx.msk [tilespmem:v1+s28+$0x20 ss:$0x1], $0xffff;
	v48 =	vmul.f32 v37, v9;
	v49 =	vmul.f32 v38, v12  }
0x125: {  	v15 =	vadd.f32 v15, v19;
	v17 =	vld.idx.msk [tilespmem:v1+s28+$0x30 ss:$0x1], $0xffff;
	v50 =	vmul.f32 v39, v12;
	v51 =	vmul.f32 v40, v12  }
0x126: {  	v16 =	vadd.f32 v16, v21;
	v52 =	vmul.f32 v41, v12;
	v53 =	vmul.f32 v43, v27;
	v37 =	vld.idx.msk [tilespmem:v1+s28+$0x840 ss:$0x1], $0xffff  }
0x127: {  	v55 =	vmul.f32 v42, v12;
	v56 =	vmul.f32 v44, v27;
	v43 =	vld.idx.msk [tilespmem:v2+s28+$0x50 ss:$0x1], $0xffff;
	v26 =	vadd.f32 $0.0e+00, v26  }
0x128: {  	v41 =	vmul.f32 v46, v29;
	v46 =	vld.idx.msk [tilespmem:v1+s28+$0x850 ss:$0x1], $0xffff;
	v10 =	vadd.f32 v35, v20;
	v20 =	vadd.f32 $0.0e+00, v49  }
0x129: {  	v30 =	vmul.f32 v58, v27;
	v35 =	vld.idx.msk [tilespmem:v1+s28+$0x1830 ss:$0x1], $0xffff;
	v25 =	vadd.f32 $0.0e+00, v50;
	v26 =	vadd.f32 v28, v26  }
0x12a: {  	(xrf2) =	vadd.scan.msk.f32 $0xffff, v18;
	v44 =	vmul.f32 v47, v29;
	v21 =	vadd.f32 $0.0e+00, v51;
	v58 =	vadd.f32 $0.0e+00, v52;
	v28 =	vld.idx.msk [tilespmem:v1+s28+$0x1020 ss:$0x1], $0xffff  }
0x12b: {  	v54 =	vmul.f32 v54, v33;
	v20 =	vadd.f32 v53, v20;
	v53 =	vld.idx.msk [tilespmem:v2+s28+$0x60 ss:$0x1], $0xffff;
	v26 =	vadd.f32 v57, v26  }
0x12c: {  	(xrf2) =	vadd.scan.msk.f32 $0xffff, v15;
	v12 =	vadd.f32 $0.0e+00, v55;
	v55 =	vld.idx.msk [tilespmem:v1+s28+$0x60 ss:$0x1], $0xffff;
	v25 =	vadd.f32 v56, v25;
	v42 =	vmul.f32 v34, v29  }
0x12d: {  	v22 =	vmul.f32 v22, v29;
	v51 =	vmul.f32 v23, v31;
	v57 =	vld.idx.msk [tilespmem:v1+s28+$0x40 ss:$0x1], $0xffff;
	v26 =	vadd.f32 v59, v26  }
0x12e: {  	v17 =	vmul.f32 v17, v31;
	v25 =	vadd.f32 v42, v25;
	v59 =	vmul.f32 v45, v27;
	v45 =	vld.idx.msk [tilespmem:v1+s28+$0x50 ss:$0x1], $0xffff  }
0x12f: {  	v20 =	vadd.f32 v41, v20;
	v52 =	vmul.f32 v35, v31;
	v61 =	vadd.f32 v60, v26;
	v26 =	vld.idx.msk [tilespmem:v2+s28+$0x30 ss:$0x1], $0xffff  }
0x130: {  	v28 =	vmul.f32 v28, v29;
	v17 =	vadd.f32 v17, v25;
	v40 =	vmul.f32 v53, v11;
	v60 =	vld.idx.msk [tilespmem:v1+s28+$0x1040 ss:$0x1], $0xffff  }
0x131: {  	v18 =	vadd.f32 v59, v58;
	v58 =	vmul.f32 v37, v33;
	v2 =	vld.idx.msk [tilespmem:v2+s28+$0x70 ss:$0x1], $0xffff;
	v24 =	vadd.f32 v62, v61  }
0x132: {  	v37 =	vld.idx.msk [tilespmem:v1+s28+$0x70 ss:$0x1], $0xffff;
	v56 =	vmul.f32 v57, v33;
	v61 =	vadd.f32 v30, v21;
	v62 =	vmul.f32 v32, v27  }
0x133: {  	v25 =	vmul.f32 v55, v11;
	v18 =	vadd.f32 v28, v18;
	v36 =	vadd.f32 v63, v24;
	v24 =	vld.idx.msk [tilespmem:v1+s28+$0x830 ss:$0x1], $0xffff  }
0x134: {  	v39 =	vld.idx.msk [tilespmem:v1+s28+$0x870 ss:$0x1], $0xffff;
	v17 =	vadd.f32 v56, v17;
	v35 =	vmul.f32 v45, v13;
	v12 =	vadd.f32 v62, v12  }
0x135: {  	v63 =	vld.idx.msk [tilespmem:v1+s28+$0x1840 ss:$0x1], $0xffff;
	v15 =	vadd.f32 v44, v61;
	v18 =	vadd.f32 v51, v18;
	v47 =	vmul.f32 v26, v31  }
0x136: {  	v57 =	vld.idx.msk [tilespmem:v1+s28+$0x860 ss:$0x1], $0xffff;
	v62 =	vmul.f32 v43, v13;
	v59 =	vmul.f32 v60, v33;
	v17 =	vadd.f32 v35, v17  }
0x137: {  	v2 =	vmul.f32 v2, v9;
	v19 =	vadd.f32 v48, v36;
	v48 =	vld.idx.msk [tilespmem:v1+s28+$0x1050 ss:$0x1], $0xffff;
	v20 =	vadd.f32 v47, v20  }
0x138: {  	v50 =	vld.idx.msk [tilespmem:v1+s28+$0x1850 ss:$0x1], $0xffff;
	v45 =	vmul.f32 v37, v9;
	v12 =	vadd.f32 v22, v12;
	v49 =	vmul.f32 v24, v31  }
0x139: {  	v60 =	vld.idx.msk [tilespmem:v1+s28+$0x1060 ss:$0x1], $0xffff;
	v36 =	vmul.f32 v46, v13;
	v18 =	vadd.f32 v59, v18;
	v20 =	vadd.f32 v54, v20  }
0x13a: {  	v17 =	vadd.f32 v25, v17;
	v61 =	vmul.f32 v63, v33;
	v63 =	vld.idx.msk [tilespmem:v1+s28+$0x1860 ss:$0x1], $0xffff;
	v15 =	vadd.f32 v49, v15  }
0x13b: {  	v41 =	vld.idx.msk [tilespmem:v1+s28+$0x1070 ss:$0x1], $0xffff;
	v42 =	vmul.f32 v57, v11;
	v12 =	vadd.f32 v52, v12;
	v20 =	vadd.f32 v62, v20  }
0x13c: {  	v47 =	vmul.f32 v39, v9;
	v1 =	vld.idx.msk [tilespmem:v1+s28+$0x1870 ss:$0x1], $0xffff;
	v38 =	vmul.f32 v48, v13;
	v15 =	vadd.f32 v58, v15  }
0x13d: {  	v12 =	vadd.f32 v61, v12;
	v13 =	vmul.f32 v50, v13;
	v43 =	vadd.f32 v40, v20  }
0x13e: {  	(xrf2) =	vadd.scan.msk.f32 $0xffff, v16;
	v44 =	vmul.f32 v60, v11;
	v18 =	vadd.f32 v38, v18;
	v15 =	vadd.f32 v36, v15  }
0x13f: {  	(xrf2) =	vadd.scan.msk.f32 $0xffff, v14;
	v12 =	vadd.f32 v13, v12;
	v46 =	vmul.f32 v63, v11;
	v2 =	vadd.f32 v2, v43  }
0x140: {  	(xrf2) =	vadd.scan.msk.f32 $0xffff, v10;
	v48 =	vmul.f32 v41, v9;
	v14 =	vadd.f32 v44, v18;
	v13 =	vadd.f32 v42, v15  }
0x141: {  	(xrf2) =	vadd.scan.msk.f32 $0xffff, v19;
	v1 =	vmul.f32 v1, v9;
	v10 =	vadd.f32 v46, v12;
	v15 =	vadd.f32 v45, v17  }
0x142: {  	(xrf2) =	vadd.scan.msk.f32 $0xffff, v2;
	v2 =	vadd.f32 v48, v14;
	v11 =	vadd.f32 v47, v13  }
0x143: {  	v1 =	vadd.f32 v1, v10;
	(xrf2) =	vadd.scan.msk.f32 $0xffff, v15  }
0x144: {  	(xrf2) =	vadd.scan.msk.f32 $0xffff, v11  }
0x145: {  	(xrf2) =	vadd.scan.msk.f32 $0xffff, v2  }
0x146: {  	v2, _, _ =	vpop (xrf2);
	(xrf2) =	vadd.scan.msk.f32 $0xffff, v1  }
0x147: {  	v1, _, _ =	vpop (xrf2)  }
0x148: {  	v49, _, _ =	vpop (xrf2)  }
0x149: {  	v50, _, _ =	vpop (xrf2)  }
0x14a: {  	s0 =	sadd.s32 $0x1, s26;
	v51, _, _ =	vpop (xrf2)  }
0x14b: {  	v54 =	vmov s0;
	v2 =	vbroadcast v2, $0xF;
	v52, _, _ =	vpop (xrf2)  }
0x14c: {  	s31 =	sshll.u32 s25, $0x4;
	s3 =	sshll.u32 s25, $0x7;
	vm1 =	veq.s32 v54, v0;
	v1 =	vbroadcast v1, $0xF;
	v53, _, _ =	vpop (xrf2)  }
0x14d: {  	s3 =	sand.u32 $0xC00, s3;
	s0 =	sand.u32 $0x70, s31;
	v9 =	vbroadcast v49, $0xF;
	v2 =	vsel vm0, v2, v4;
	v55 =	vbroadcast v53, $0xF;
	v56, _, _ =	vpop (xrf2)  }
0x14e: {  	s0 =	sor.u32 s0, s3;
	v1 =	vsel vm0, v1, v8;
	v10 =	vbroadcast v50, $0xF;
	v8 =	vbroadcast v56, $0xF;
	v57, _, _ =	vpop (xrf2)  }
0x14f: {  	s25 =	sadd.s32 $0x1, s25;
	s3 =	sadd.s32 $0x16400, s0;
	v7 =	vsel vm0, v9, v7;
	v2 =	vsel vm1, v55, v2;
	v58 =	vbroadcast v57, $0xF;
	v59, _, _ =	vpop (xrf2)  }
0x150: {  	p0 =	sne.s32 s25, $0x20;
	v11 =	vbroadcast v51, $0xF;
	v1 =	vsel vm1, v8, v1;
	[tilespmem:s3+$0x280] =	vst v2;
	v60 =	vbroadcast v59, $0xF;
	v61, _, _ =	vpop (xrf2)  }
.Ltmp1:
0x151: {  	v2 =	vsel vm0, v10, v6;
	[tilespmem:s0+$0x16400] =	vst v1;
	v4 =	vsel vm1, v58, v7;
	v62 =	vbroadcast v61, $0xF;
	(pc) =	sbr.rel @p0 .LBB2_2-.Ltmp1, $4  }
0x152: {  	v63 =	vbroadcast v52, $0xF;
	v1 =	vsel vm0, v11, v5;
	v2 =	vsel vm1, v60, v2;
	[tilespmem:s3+$0x80] =	vst v4  }
0x153: {  	v1 =	vsel vm1, v62, v1;
	[tilespmem:s3+$0x100] =	vst v2  }
0x154: {  	v2 =	vsel vm1, v63, v3;
	[tilespmem:s3+$0x180] =	vst v1  }
0x155: {  	s24 =	sadd.s32 $0x2800, s24;
	s23 =	sadd.s32 $0x800, s23;
	s22 =	sadd.s32 $0x800, s22;
	[tilespmem:s3+$0x200] =	vst v2  }
0x156: {  	s21 =	sadd.s32 $0x1, s21  }
0x157: {  	p0 =	sne.s32 s21, s9  }
.Ltmp2:
0x158: {  	_ = 	snop;
	(pc) =	sbr.rel @p0 .LBB2_1-.Ltmp2, $4  }
0x159: {  	[hbm4b:s8+s4] =	stream.linear.scatter [tilespmem:s20], [sflag:$0x7], $0x1000, $0x38;
	[tilespmem:$0x17400] =	vst v63  }
0x15a: {  	_ =	swait.ge [sflag:s10], $0x1000  }
0x15b: {  	[sflag:s10] =	ssyncset.done $0x0  }
0x15c: {  	[sflag:s10] =	ssyncadd.s32 $0xFFFFF000  }
0x15d: {  	_ =	sfence.sel $0x180000  }
0x15e: {  	[bflag:$0x0] =	sbarrier.arrive $0xFFFF  }
0x15f: {  	_ =	strace $0x90000047  }
0x160: {  	s0 =	stileid.u32;
	[bflag:$0x2] =	sbarrier.arrive $0xFFFF  }
0x161: {  	p0 =	sne.s32 s0, $0x0;
	s0 =	rddreg [dreg:$0x6]  }
0x162: {  	s0 =	sadd.s32 @!p0 $0x100000, s0  }
0x163: {  	[sflag:s0] =	ssyncadd.tile.s32 @!p0 $0x1;
	_ =	shalt  }
.Lfunc_end2:
_tile_overlayer_lowered:
.L_overlay_start_2:
0x164: {  	(tag) =	ssettag $0x2  }
0x165: {  	s0 =	rddreg [dreg:$0x0];
	s2 =	stileid.u32  }
0x166: {  	s1 =	rddreg [dreg:$0x1];
	p0 =	sne.s32 s2, $0x0  }
0x167: {  	s3 =	rddreg [dreg:$0x2];
	[bflag:$0x3] =	sbarrier.arrive $0xFFFF;
	s2 =	simm.s32 @!p0 $0x1C07  }
0x168: {  	[timem:s3], [sflag:s2] =	dma.local @!p0 [hbm:s0], s1  }
0x169: {  	s0 =	simm.s32 @!p0 $0x7  }
0x16a: {  	_ =	swait.ge @!p0 [sflag:s0], s1  }
0x16b: {  	s1 =	ssub.s32 @!p0 $0x0, s1;
	[sflag:s0] =	ssyncset.done @!p0 $0x0  }
0x16c: {  	[sflag:s0] =	ssyncadd.s32 @!p0 s1  }
0x16d: {  	[bflag:$0x3] =	sbarrier.arrive $0xFFFF  }
0x16e: {  	_ =	shalt  }

</sc_bundles>
